<compile_context>
chip_gen: v7x
topology: tpu7x:2x2x1
jax: 0.10.2.dev20260603
libtpu: 0.0.44.dev20260713+nightly
codegen_flags: <defaults>
</compile_context>

<pallas_src>
import functools

import jax
import jax.numpy as jnp
from jax import lax
from jax.experimental import pallas as pl
from jax.experimental.pallas import tpu as pltpu
from jax.experimental.pallas import tpu_sc as plsc

_B = 1024
_NE = 16
_N0 = 131072
_NINF = 32768
_C0 = 17
_CINF = 65

_GRID = 128
_R0 = _N0 // _GRID
_RI = _NINF // _GRID

_NW = 16
_P0 = _N0 // _NW
_PI = _NINF // _NW


def _nll_body(x0_ref, lab0_ref, xi_ref, labi_ref, out0_ref, outi_ref):
    x0 = x0_ref[...]
    lse0 = jnp.log(jnp.sum(jnp.exp(x0), axis=0))
    lab0 = lab0_ref[...]
    io0 = lax.broadcasted_iota(jnp.int32, x0.shape, 0)
    picked0 = jnp.sum(jnp.where(io0 == lab0[None, :], x0, 0.0), axis=0)
    out0_ref[...] = lse0 - picked0

    xi = xi_ref[...]
    lsei = jnp.log(jnp.sum(jnp.exp(xi), axis=0))
    labi = labi_ref[...]
    ioi = lax.broadcasted_iota(jnp.int32, xi.shape, 0)
    pickedi = jnp.sum(jnp.where(ioi == labi[None, :, :], xi, 0.0), axis=0)
    outi_ref[...] = jnp.sum(lsei - pickedi, axis=0)


def _tc_nll(logits0_t, labels0, logits_inf_t, labels_inf_t):
    return pl.pallas_call(
        _nll_body,
        grid=(_GRID,),
        in_specs=[
            pl.BlockSpec((_C0, _R0), lambda i: (0, i)),
            pl.BlockSpec((_R0,), lambda i: (i,)),
            pl.BlockSpec((_CINF, _NE, _RI), lambda i: (0, 0, i)),
            pl.BlockSpec((_NE, _RI), lambda i: (0, i)),
        ],
        out_specs=[
            pl.BlockSpec((_R0,), lambda i: (i,)),
            pl.BlockSpec((_RI,), lambda i: (i,)),
        ],
        out_shape=[
            jax.ShapeDtypeStruct((_N0,), jnp.float32),
            jax.ShapeDtypeStruct((_NINF,), jnp.float32),
        ],
    )(logits0_t, labels0, logits_inf_t, labels_inf_t)


def _sc_counts_body(b0_flat, binf_flat, ones_h, sixteens_h, zeros_h,
                    inv_h,
                    ones_v, six_v, ids0_v, idsi_v, cnt_v, inv_v,
                    sh_cnt):
    w = lax.axis_index("s")

    pltpu.sync_copy(ones_h, ones_v)
    pltpu.sync_copy(sixteens_h, six_v)
    pltpu.sync_copy(b0_flat.at[pl.ds(w * _P0, _P0)], ids0_v)
    pltpu.sync_copy(binf_flat.at[pl.ds(w * _PI, _PI)], idsi_v)

    @pl.when(w == 0)
    def _zero_table():
        pltpu.sync_copy(zeros_h, sh_cnt)

    plsc.subcore_barrier()

    pltpu.sync_copy(ones_v, sh_cnt.at[ids0_v], add=True)
    pltpu.sync_copy(six_v, sh_cnt.at[idsi_v], add=True)

    plsc.subcore_barrier()

    @pl.when(w == 0)
    def _invert():
        pltpu.sync_copy(sh_cnt, cnt_v)

        def inv_body(k, carry):
            inv_v[pl.ds(k * 16, 16)] = 1.0 / cnt_v[pl.ds(k * 16, 16)]
            return carry

        lax.fori_loop(0, _B // 16, inv_body, 0)
        pltpu.sync_copy(inv_v, inv_h)


def _sc_reduce_body(b0_flat, binf_flat, nll0_h, nlli_h, inv_h,
                    iota32_h, zeros32_h,
                    out0_h, outi_h,
                    ids0_v, idsi_v, nll0_v, nlli_v, inv_v,
                    acc_v, rows_v, out_v, idx32_v,
                    sh_acc):
    w = lax.axis_index("s")

    pltpu.sync_copy(iota32_h, idx32_v)
    pltpu.sync_copy(inv_h, inv_v)
    pltpu.sync_copy(b0_flat.at[pl.ds(w * _P0, _P0)], ids0_v)
    pltpu.sync_copy(binf_flat.at[pl.ds(w * _PI, _PI)], idsi_v)
    pltpu.sync_copy(nll0_h.at[pl.ds(w * _P0, _P0)], nll0_v)
    pltpu.sync_copy(nlli_h.at[pl.ds(w * _PI, _PI)], nlli_v)

    @pl.when(w == 0)
    def _zero_table():
        pltpu.sync_copy(zeros32_h, sh_acc)

    plsc.subcore_barrier()

    def _red(ids_ref, nll_ref, n):
        def body(i, accs):
            new = []
            for u in range(4):
                off = (i * 4 + u) * 16
                ids = ids_ref[pl.ds(off, 16)]
                wgt = plsc.load_gather(inv_v, [ids])
                new.append(accs[u] + nll_ref[pl.ds(off, 16)] * wgt)
            return tuple(new)

        z = jnp.zeros((16,), jnp.float32)
        accs = lax.fori_loop(0, n // 64, body, (z, z, z, z))
        return accs[0] + accs[1] + accs[2] + accs[3]

    acc0 = _red(ids0_v, nll0_v, _P0)
    acci = _red(idsi_v, nlli_v, _PI)

    acc_v[pl.ds(0, 16)] = acc0
    acc_v[pl.ds(16, 16)] = acci
    pltpu.sync_copy(acc_v, sh_acc.at[idx32_v], add=True)

    plsc.subcore_barrier()

    @pl.when(w == 0)
    def _final():
        pltpu.sync_copy(sh_acc, rows_v)
        s0 = jnp.sum(rows_v[pl.ds(0, 16)]) * (1.0 / _B)
        si = jnp.sum(rows_v[pl.ds(16, 16)]) * (1.0 / _B)
        out_v[...] = jnp.full((16,), s0, jnp.float32)
        pltpu.sync_copy(out_v, out0_h)
        out_v[...] = jnp.full((16,), si, jnp.float32)
        pltpu.sync_copy(out_v, outi_h)


@functools.partial(jax.jit, static_argnames=())
def kernel(x0_0dof_pred_logits, x0_infdof_pred_logits, x_0_dof_labels,
           x_inf_dof_labels, batch_zero_dof, batch_inf_dof):
    nll0, nlli = _tc_nll(
        x0_0dof_pred_logits.T,
        x_0_dof_labels,
        jnp.transpose(x0_infdof_pred_logits, (2, 1, 0)),
        x_inf_dof_labels.T,
    )
    ones = jnp.ones((_P0,), jnp.float32)
    sixteens = jnp.full((_PI,), float(_NE), jnp.float32)
    zeros = jnp.zeros((_B,), jnp.float32)
    iota32 = jnp.arange(32, dtype=jnp.int32)
    zeros32 = jnp.zeros((32,), jnp.float32)

    mesh = plsc.VectorSubcoreMesh(
        core_axis_name="c", subcore_axis_name="s", num_cores=1)
    sc_counts = pl.kernel(
        _sc_counts_body,
        out_type=jax.ShapeDtypeStruct((_B,), jnp.float32),
        mesh=mesh,
        compiler_params=pltpu.CompilerParams(needs_layout_passes=False),
        scratch_types=[
            pltpu.VMEM((_P0,), jnp.float32),
            pltpu.VMEM((_PI,), jnp.float32),
            pltpu.VMEM((_P0,), jnp.int32),
            pltpu.VMEM((_PI,), jnp.int32),
            pltpu.VMEM((_B,), jnp.float32),
            pltpu.VMEM((_B,), jnp.float32),
            pltpu.VMEM_SHARED((_B,), jnp.float32),
        ],
    )
    inv_arr = sc_counts(batch_zero_dof, batch_inf_dof, ones, sixteens, zeros)

    sc_reduce = pl.kernel(
        _sc_reduce_body,
        out_type=(
            jax.ShapeDtypeStruct((16,), jnp.float32),
            jax.ShapeDtypeStruct((16,), jnp.float32),
        ),
        mesh=mesh,
        compiler_params=pltpu.CompilerParams(needs_layout_passes=False),
        scratch_types=[
            pltpu.VMEM((_P0,), jnp.int32),
            pltpu.VMEM((_PI,), jnp.int32),
            pltpu.VMEM((_P0,), jnp.float32),
            pltpu.VMEM((_PI,), jnp.float32),
            pltpu.VMEM((_B,), jnp.float32),
            pltpu.VMEM((32,), jnp.float32),
            pltpu.VMEM((32,), jnp.float32),
            pltpu.VMEM((16,), jnp.float32),
            pltpu.VMEM((32,), jnp.int32),
            pltpu.VMEM_SHARED((32,), jnp.float32),
        ],
    )
    out0_arr, outi_arr = sc_reduce(batch_zero_dof, batch_inf_dof,
                                   nll0, nlli, inv_arr, iota32, zeros32)
    return (out0_arr[0], outi_arr[0])

# --- scband reference (transcript-rebuilt; emitter-appended) ---
"""Pipeline reference for scband-d3-pm-29480655520357 (READ-ONLY COPY).

The authoritative reference and input builder live on the scoring server;
editing this copy changes nothing except your own understanding.
"""

import jax, jax.numpy as jnp
import numpy as np

B = 1024
NUM_ELEMENTS = 16
N0 = 131072
NINF = 32768
C0 = 17
CINF = 65


def setup_inputs(seed: int = 0):
    key = jax.random.key(seed)
    ks = jax.random.split(key, 6)
    logits0 = jax.random.normal(ks[0], (N0, C0), dtype=jnp.float32)
    logits_inf = jax.random.normal(ks[1], (NINF, NUM_ELEMENTS, CINF), dtype=jnp.float32)
    labels0 = jax.random.randint(ks[2], (N0,), 0, C0, dtype=jnp.int32)
    labels_inf = jax.random.randint(ks[3], (NINF, NUM_ELEMENTS), 0, CINF, dtype=jnp.int32)
    batch0 = jnp.sort(jax.random.randint(ks[4], (N0,), 0, B, dtype=jnp.int32))
    batch_inf = jnp.sort(jax.random.randint(ks[5], (NINF,), 0, B, dtype=jnp.int32))
    return {
        'x0_0dof_pred_logits': logits0,
        'x0_infdof_pred_logits': logits_inf,
        'x_0_dof_labels': labels0,
        'x_inf_dof_labels': labels_inf,
        'batch_zero_dof': batch0,
        'batch_inf_dof': batch_inf,
    }


def _categorical_log_likelihood(labels, logits):
    # log_softmax(logits) gathered at labels
    logp = jax.nn.log_softmax(logits, axis=-1)
    return jnp.take_along_axis(logp, labels[..., None], axis=-1)[..., 0]


def reference(x0_0dof_pred_logits, x0_infdof_pred_logits, x_0_dof_labels,
              x_inf_dof_labels, batch_zero_dof, batch_inf_dof):
    # per-graph atom counts (equivalent to x_t.num_0_dof / x_t.num_inf_dof)
    num_0_dof = jnp.bincount(batch_zero_dof, length=B)
    num_inf_dof = jnp.bincount(batch_inf_dof, length=B)
    denom = (num_0_dof + num_inf_dof * NUM_ELEMENTS).astype(jnp.float32)

    # zero-dof NLL
    nll_0dof = -_categorical_log_likelihood(x_0_dof_labels, x0_0dof_pred_logits)
    nll_0dof = jax.ops.segment_sum(nll_0dof, batch_zero_dof, num_segments=B)
    nll_0dof = nll_0dof / denom

    # inf-dof NLL (sum over element channels, then per-graph segment sum)
    nll_infdof = -_categorical_log_likelihood(x_inf_dof_labels, x0_infdof_pred_logits).sum(axis=1)
    nll_infdof = jax.ops.segment_sum(nll_infdof, batch_inf_dof, num_segments=B)
    nll_infdof = nll_infdof / denom

    return (nll_0dof.mean(), nll_infdof.mean())

if __name__ == "__main__":
    import jax
    _d = setup_inputs()
    print(jax.jit(kernel)(*tuple(_d.values())))

</pallas_src>

<mosaic_0001>
#map = affine_map<(d0, d1) -> (0)>
module attributes {stable_mosaic.version = 14 : i64} {
  func.func @_sc_counts_body(%arg0: i32, %arg1: i32, %arg2: memref<131072xi32, #tpu.memory_space<hbm>>, %arg3: memref<32768xi32, #tpu.memory_space<hbm>>, %arg4: memref<8192xf32, #tpu.memory_space<hbm>>, %arg5: memref<2048xf32, #tpu.memory_space<hbm>>, %arg6: memref<1024xf32, #tpu.memory_space<hbm>>, %arg7: memref<1024xf32, #tpu.memory_space<hbm>>, %arg8: memref<8192xf32, #tpu.memory_space<vmem>>, %arg9: memref<2048xf32, #tpu.memory_space<vmem>>, %arg10: memref<8192xi32, #tpu.memory_space<vmem>>, %arg11: memref<2048xi32, #tpu.memory_space<vmem>>, %arg12: memref<1024xf32, #tpu.memory_space<vmem>>, %arg13: memref<1024xf32, #tpu.memory_space<vmem>>, %arg14: memref<1024xf32, #tpu.memory_space<vmem_shared>>) attributes {dimension_semantics = [#tpu.dimension_semantics<core_parallel>, #tpu.dimension_semantics<subcore_parallel>], iteration_bounds = array<i64: 1, 16>, scalar_prefetch = 0 : i64, scratch_operands = 7 : i64, tpu.core_type = #tpu.core_type<sc_vector_subcore>, window_params = [{transform_indices = #map}, {transform_indices = #map}, {transform_indices = #map}, {transform_indices = #map}, {transform_indices = #map}, {transform_indices = #map}]} {
    "tpu.region"() ({
      %run_scoped3A = tpu.sem_alloc : memref<!tpu.dma_semaphore, #tpu.memory_space<semaphore_mem>>
      tpu.enqueue_dma source(%arg4 : memref<8192xf32, #tpu.memory_space<hbm>>) target(%arg8 : memref<8192xf32, #tpu.memory_space<vmem>>) target_semaphore(%run_scoped3A : memref<!tpu.dma_semaphore, #tpu.memory_space<semaphore_mem>>)
      tpu.wait_dma2 semaphore(%run_scoped3A : memref<!tpu.dma_semaphore, #tpu.memory_space<semaphore_mem>>) src(%arg4 : memref<8192xf32, #tpu.memory_space<hbm>>) dst(%arg8 : memref<8192xf32, #tpu.memory_space<vmem>>)
      tpu.yield
    }) : () -> ()
    "tpu.region"() ({
      %run_scoped3A = tpu.sem_alloc : memref<!tpu.dma_semaphore, #tpu.memory_space<semaphore_mem>>
      tpu.enqueue_dma source(%arg5 : memref<2048xf32, #tpu.memory_space<hbm>>) target(%arg9 : memref<2048xf32, #tpu.memory_space<vmem>>) target_semaphore(%run_scoped3A : memref<!tpu.dma_semaphore, #tpu.memory_space<semaphore_mem>>)
      tpu.wait_dma2 semaphore(%run_scoped3A : memref<!tpu.dma_semaphore, #tpu.memory_space<semaphore_mem>>) src(%arg5 : memref<2048xf32, #tpu.memory_space<hbm>>) dst(%arg9 : memref<2048xf32, #tpu.memory_space<vmem>>)
      tpu.yield
    }) : () -> ()
    %mul3A = arith.constant 8192 : i32
    %mul3A_0 = arith.muli %arg1, %mul3A : i32
    "tpu.region"() ({
      %run_scoped3A = tpu.sem_alloc : memref<!tpu.dma_semaphore, #tpu.memory_space<semaphore_mem>>
      %dma_start3A = tpu.memref_slice %arg2[%mul3A_0] : memref<131072xi32, #tpu.memory_space<hbm>> -> memref<8192xi32, #tpu.memory_space<hbm>>
      %dma_start3A_11 = tpu.memref_slice %arg2[%mul3A_0] : memref<131072xi32, #tpu.memory_space<hbm>> -> memref<8192xi32, #tpu.memory_space<hbm>>
      tpu.enqueue_dma source(%dma_start3A_11 : memref<8192xi32, #tpu.memory_space<hbm>>) target(%arg10 : memref<8192xi32, #tpu.memory_space<vmem>>) target_semaphore(%run_scoped3A : memref<!tpu.dma_semaphore, #tpu.memory_space<semaphore_mem>>)
      %dma_wait3A = tpu.memref_slice %arg2[%mul3A_0] : memref<131072xi32, #tpu.memory_space<hbm>> -> memref<8192xi32, #tpu.memory_space<hbm>>
      %dma_wait3A_12 = tpu.memref_slice %arg2[%mul3A_0] : memref<131072xi32, #tpu.memory_space<hbm>> -> memref<8192xi32, #tpu.memory_space<hbm>>
      tpu.wait_dma2 semaphore(%run_scoped3A : memref<!tpu.dma_semaphore, #tpu.memory_space<semaphore_mem>>) src(%dma_wait3A_12 : memref<8192xi32, #tpu.memory_space<hbm>>) dst(%arg10 : memref<8192xi32, #tpu.memory_space<vmem>>)
      tpu.yield
    }) : () -> ()
    %mul3A_1 = arith.constant 2048 : i32
    %mul3A_2 = arith.muli %arg1, %mul3A_1 : i32
    "tpu.region"() ({
      %run_scoped3A = tpu.sem_alloc : memref<!tpu.dma_semaphore, #tpu.memory_space<semaphore_mem>>
      %dma_start3A = tpu.memref_slice %arg3[%mul3A_2] : memref<32768xi32, #tpu.memory_space<hbm>> -> memref<2048xi32, #tpu.memory_space<hbm>>
      %dma_start3A_11 = tpu.memref_slice %arg3[%mul3A_2] : memref<32768xi32, #tpu.memory_space<hbm>> -> memref<2048xi32, #tpu.memory_space<hbm>>
      tpu.enqueue_dma source(%dma_start3A_11 : memref<2048xi32, #tpu.memory_space<hbm>>) target(%arg11 : memref<2048xi32, #tpu.memory_space<vmem>>) target_semaphore(%run_scoped3A : memref<!tpu.dma_semaphore, #tpu.memory_space<semaphore_mem>>)
      %dma_wait3A = tpu.memref_slice %arg3[%mul3A_2] : memref<32768xi32, #tpu.memory_space<hbm>> -> memref<2048xi32, #tpu.memory_space<hbm>>
      %dma_wait3A_12 = tpu.memref_slice %arg3[%mul3A_2] : memref<32768xi32, #tpu.memory_space<hbm>> -> memref<2048xi32, #tpu.memory_space<hbm>>
      tpu.wait_dma2 semaphore(%run_scoped3A : memref<!tpu.dma_semaphore, #tpu.memory_space<semaphore_mem>>) src(%dma_wait3A_12 : memref<2048xi32, #tpu.memory_space<hbm>>) dst(%arg11 : memref<2048xi32, #tpu.memory_space<vmem>>)
      tpu.yield
    }) : () -> ()
    %eq3A = arith.constant 0 : i32
    %eq3A_3 = arith.cmpi eq, %arg1, %eq3A : i32
    %convert_element_type3A = arith.extui %eq3A_3 : i1 to i32
    %cond3A = arith.constant 0 : i32
    %cond3A_4 = arith.cmpi ne, %convert_element_type3A, %cond3A : i32
    scf.if %cond3A_4 {
      "tpu.region"() ({
        %run_scoped3A = tpu.sem_alloc : memref<!tpu.dma_semaphore, #tpu.memory_space<semaphore_mem>>
        tpu.enqueue_dma source(%arg6 : memref<1024xf32, #tpu.memory_space<hbm>>) target(%arg14 : memref<1024xf32, #tpu.memory_space<vmem_shared>>) target_semaphore(%run_scoped3A : memref<!tpu.dma_semaphore, #tpu.memory_space<semaphore_mem>>)
        tpu.wait_dma2 semaphore(%run_scoped3A : memref<!tpu.dma_semaphore, #tpu.memory_space<semaphore_mem>>) src(%arg6 : memref<1024xf32, #tpu.memory_space<hbm>>) dst(%arg14 : memref<1024xf32, #tpu.memory_space<vmem_shared>>)
        tpu.yield
      }) : () -> ()
    } else {
    }
    %barrier3A = arith.constant 0 : index
    tpu.barrier barrier_id(%barrier3A)
    "tpu.region"() ({
      %run_scoped3A = tpu.sem_alloc : memref<!tpu.dma_semaphore, #tpu.memory_space<semaphore_mem>>
      %dma_start3A = arith.constant 0 : i32
      %dma_start3A_11 = tpu.memref_slice %arg14[%dma_start3A] : memref<1024xf32, #tpu.memory_space<vmem_shared>> -> memref<1024xf32, #tpu.memory_space<vmem_shared>>
      tpu.enqueue_indirect_dma source(%arg8 : memref<8192xf32, #tpu.memory_space<vmem>>) target(%dma_start3A_11 : memref<1024xf32, #tpu.memory_space<vmem_shared>>) offsets(%arg10 : memref<8192xi32, #tpu.memory_space<vmem>>) semaphore(%run_scoped3A : memref<!tpu.dma_semaphore, #tpu.memory_space<semaphore_mem>>) {add = true}
      %dma_wait3A = arith.constant 0 : i32
      %dma_wait3A_12 = tpu.memref_slice %arg14[%dma_wait3A] : memref<1024xf32, #tpu.memory_space<vmem_shared>> -> memref<1024xf32, #tpu.memory_space<vmem_shared>>
      tpu.wait_indirect_dma semaphore(%run_scoped3A : memref<!tpu.dma_semaphore, #tpu.memory_space<semaphore_mem>>) src(%arg8 : memref<8192xf32, #tpu.memory_space<vmem>>) dst(%dma_wait3A_12 : memref<1024xf32, #tpu.memory_space<vmem_shared>>)
      tpu.yield
    }) : () -> ()
    "tpu.region"() ({
      %run_scoped3A = tpu.sem_alloc : memref<!tpu.dma_semaphore, #tpu.memory_space<semaphore_mem>>
      %dma_start3A = arith.constant 0 : i32
      %dma_start3A_11 = tpu.memref_slice %arg14[%dma_start3A] : memref<1024xf32, #tpu.memory_space<vmem_shared>> -> memref<1024xf32, #tpu.memory_space<vmem_shared>>
      tpu.enqueue_indirect_dma source(%arg9 : memref<2048xf32, #tpu.memory_space<vmem>>) target(%dma_start3A_11 : memref<1024xf32, #tpu.memory_space<vmem_shared>>) offsets(%arg11 : memref<2048xi32, #tpu.memory_space<vmem>>) semaphore(%run_scoped3A : memref<!tpu.dma_semaphore, #tpu.memory_space<semaphore_mem>>) {add = true}
      %dma_wait3A = arith.constant 0 : i32
      %dma_wait3A_12 = tpu.memref_slice %arg14[%dma_wait3A] : memref<1024xf32, #tpu.memory_space<vmem_shared>> -> memref<1024xf32, #tpu.memory_space<vmem_shared>>
      tpu.wait_indirect_dma semaphore(%run_scoped3A : memref<!tpu.dma_semaphore, #tpu.memory_space<semaphore_mem>>) src(%arg9 : memref<2048xf32, #tpu.memory_space<vmem>>) dst(%dma_wait3A_12 : memref<1024xf32, #tpu.memory_space<vmem_shared>>)
      tpu.yield
    }) : () -> ()
    %barrier3A_5 = arith.constant 0 : index
    tpu.barrier barrier_id(%barrier3A_5)
    %eq3A_6 = arith.constant 0 : i32
    %eq3A_7 = arith.cmpi eq, %arg1, %eq3A_6 : i32
    %convert_element_type3A_8 = arith.extui %eq3A_7 : i1 to i32
    %cond3A_9 = arith.constant 0 : i32
    %cond3A_10 = arith.cmpi ne, %convert_element_type3A_8, %cond3A_9 : i32
    scf.if %cond3A_10 {
      "tpu.region"() ({
        %run_scoped3A = tpu.sem_alloc : memref<!tpu.dma_semaphore, #tpu.memory_space<semaphore_mem>>
        tpu.enqueue_dma source(%arg14 : memref<1024xf32, #tpu.memory_space<vmem_shared>>) target(%arg12 : memref<1024xf32, #tpu.memory_space<vmem>>) target_semaphore(%run_scoped3A : memref<!tpu.dma_semaphore, #tpu.memory_space<semaphore_mem>>)
        tpu.wait_dma2 semaphore(%run_scoped3A : memref<!tpu.dma_semaphore, #tpu.memory_space<semaphore_mem>>) src(%arg14 : memref<1024xf32, #tpu.memory_space<vmem_shared>>) dst(%arg12 : memref<1024xf32, #tpu.memory_space<vmem>>)
        tpu.yield
      }) : () -> ()
      %scan3A = arith.constant 0 : i32
      %scan3A_11 = arith.constant 0 : i32
      %scan3A_12 = arith.constant 64 : i32
      %scan3A_13 = arith.addi %scan3A_11, %scan3A_12 : i32
      %scan3A_14 = arith.constant 1 : i32
      scf.for %scan3A_16 = %scan3A_11 to %scan3A_13 step %scan3A_14  : i32 {
        %mul3A_17 = arith.constant 16 : i32
        %mul3A_18 = arith.muli %scan3A_16, %mul3A_17 : i32
        %get3A = arith.index_cast %mul3A_18 : i32 to index
        %get3A_19 = tpu.vector_load %arg12[%get3A] {strides = array<i32>} : memref<1024xf32, #tpu.memory_space<vmem>>, vector<16xf32>,
        %div3A = arith.constant 1.000000e+00 : f32
        %div3A_20 = vector.broadcast %div3A : f32 to vector<16xf32>
        %div3A_21 = arith.divf %div3A_20, %get3A_19 : vector<16xf32>
        %mul3A_22 = arith.constant 16 : i32
        %mul3A_23 = arith.muli %scan3A_16, %mul3A_22 : i32
        %swap3A = arith.index_cast %mul3A_23 : i32 to index
        %swap3A_24 = tpu.vector_load %arg13[%swap3A] {strides = array<i32>} : memref<1024xf32, #tpu.memory_space<vmem>>, vector<16xf32>,
        tpu.vector_store %arg13[%swap3A], %div3A_21 {strides = array<i32>} : memref<1024xf32, #tpu.memory_space<vmem>>, vector<16xf32>,
      }
      %scan3A_15 = arith.constant 64 : i32
      "tpu.region"() ({
        %run_scoped3A = tpu.sem_alloc : memref<!tpu.dma_semaphore, #tpu.memory_space<semaphore_mem>>
        tpu.enqueue_dma source(%arg13 : memref<1024xf32, #tpu.memory_space<vmem>>) target(%arg7 : memref<1024xf32, #tpu.memory_space<hbm>>) target_semaphore(%run_scoped3A : memref<!tpu.dma_semaphore, #tpu.memory_space<semaphore_mem>>)
        tpu.wait_dma2 semaphore(%run_scoped3A : memref<!tpu.dma_semaphore, #tpu.memory_space<semaphore_mem>>) src(%arg13 : memref<1024xf32, #tpu.memory_space<vmem>>) dst(%arg7 : memref<1024xf32, #tpu.memory_space<hbm>>)
        tpu.yield
      }) : () -> ()
    } else {
    }
    return
  }
}

#map = affine_map<(d0, d1) -> (0)>
module attributes {stable_mosaic.version = 14 : i64} {
  func.func @_sc_reduce_body(%arg0: i32, %arg1: i32, %arg2: memref<131072xi32, #tpu.memory_space<hbm>>, %arg3: memref<32768xi32, #tpu.memory_space<hbm>>, %arg4: memref<131072xf32, #tpu.memory_space<hbm>>, %arg5: memref<32768xf32, #tpu.memory_space<hbm>>, %arg6: memref<1024xf32, #tpu.memory_space<hbm>>, %arg7: memref<32xi32, #tpu.memory_space<hbm>>, %arg8: memref<32xf32, #tpu.memory_space<hbm>>, %arg9: memref<16xf32, #tpu.memory_space<hbm>>, %arg10: memref<16xf32, #tpu.memory_space<hbm>>, %arg11: memref<8192xi32, #tpu.memory_space<vmem>>, %arg12: memref<2048xi32, #tpu.memory_space<vmem>>, %arg13: memref<8192xf32, #tpu.memory_space<vmem>>, %arg14: memref<2048xf32, #tpu.memory_space<vmem>>, %arg15: memref<1024xf32, #tpu.memory_space<vmem>>, %arg16: memref<32xf32, #tpu.memory_space<vmem>>, %arg17: memref<32xf32, #tpu.memory_space<vmem>>, %arg18: memref<16xf32, #tpu.memory_space<vmem>>, %arg19: memref<32xi32, #tpu.memory_space<vmem>>, %arg20: memref<32xf32, #tpu.memory_space<vmem_shared>>) attributes {dimension_semantics = [#tpu.dimension_semantics<core_parallel>, #tpu.dimension_semantics<subcore_parallel>], iteration_bounds = array<i64: 1, 16>, scalar_prefetch = 0 : i64, scratch_operands = 10 : i64, tpu.core_type = #tpu.core_type<sc_vector_subcore>, window_params = [{transform_indices = #map}, {transform_indices = #map}, {transform_indices = #map}, {transform_indices = #map}, {transform_indices = #map}, {transform_indices = #map}, {transform_indices = #map}, {transform_indices = #map}, {transform_indices = #map}]} {
    "tpu.region"() ({
      %run_scoped3A = tpu.sem_alloc : memref<!tpu.dma_semaphore, #tpu.memory_space<semaphore_mem>>
      tpu.enqueue_dma source(%arg7 : memref<32xi32, #tpu.memory_space<hbm>>) target(%arg19 : memref<32xi32, #tpu.memory_space<vmem>>) target_semaphore(%run_scoped3A : memref<!tpu.dma_semaphore, #tpu.memory_space<semaphore_mem>>)
      tpu.wait_dma2 semaphore(%run_scoped3A : memref<!tpu.dma_semaphore, #tpu.memory_space<semaphore_mem>>) src(%arg7 : memref<32xi32, #tpu.memory_space<hbm>>) dst(%arg19 : memref<32xi32, #tpu.memory_space<vmem>>)
      tpu.yield
    }) : () -> ()
    "tpu.region"() ({
      %run_scoped3A = tpu.sem_alloc : memref<!tpu.dma_semaphore, #tpu.memory_space<semaphore_mem>>
      tpu.enqueue_dma source(%arg6 : memref<1024xf32, #tpu.memory_space<hbm>>) target(%arg15 : memref<1024xf32, #tpu.memory_space<vmem>>) target_semaphore(%run_scoped3A : memref<!tpu.dma_semaphore, #tpu.memory_space<semaphore_mem>>)
      tpu.wait_dma2 semaphore(%run_scoped3A : memref<!tpu.dma_semaphore, #tpu.memory_space<semaphore_mem>>) src(%arg6 : memref<1024xf32, #tpu.memory_space<hbm>>) dst(%arg15 : memref<1024xf32, #tpu.memory_space<vmem>>)
      tpu.yield
    }) : () -> ()
    %mul3A = arith.constant 8192 : i32
    %mul3A_0 = arith.muli %arg1, %mul3A : i32
    "tpu.region"() ({
      %run_scoped3A = tpu.sem_alloc : memref<!tpu.dma_semaphore, #tpu.memory_space<semaphore_mem>>
      %dma_start3A = tpu.memref_slice %arg2[%mul3A_0] : memref<131072xi32, #tpu.memory_space<hbm>> -> memref<8192xi32, #tpu.memory_space<hbm>>
      %dma_start3A_37 = tpu.memref_slice %arg2[%mul3A_0] : memref<131072xi32, #tpu.memory_space<hbm>> -> memref<8192xi32, #tpu.memory_space<hbm>>
      tpu.enqueue_dma source(%dma_start3A_37 : memref<8192xi32, #tpu.memory_space<hbm>>) target(%arg11 : memref<8192xi32, #tpu.memory_space<vmem>>) target_semaphore(%run_scoped3A : memref<!tpu.dma_semaphore, #tpu.memory_space<semaphore_mem>>)
      %dma_wait3A = tpu.memref_slice %arg2[%mul3A_0] : memref<131072xi32, #tpu.memory_space<hbm>> -> memref<8192xi32, #tpu.memory_space<hbm>>
      %dma_wait3A_38 = tpu.memref_slice %arg2[%mul3A_0] : memref<131072xi32, #tpu.memory_space<hbm>> -> memref<8192xi32, #tpu.memory_space<hbm>>
      tpu.wait_dma2 semaphore(%run_scoped3A : memref<!tpu.dma_semaphore, #tpu.memory_space<semaphore_mem>>) src(%dma_wait3A_38 : memref<8192xi32, #tpu.memory_space<hbm>>) dst(%arg11 : memref<8192xi32, #tpu.memory_space<vmem>>)
      tpu.yield
    }) : () -> ()
    %mul3A_1 = arith.constant 2048 : i32
    %mul3A_2 = arith.muli %arg1, %mul3A_1 : i32
    "tpu.region"() ({
      %run_scoped3A = tpu.sem_alloc : memref<!tpu.dma_semaphore, #tpu.memory_space<semaphore_mem>>
      %dma_start3A = tpu.memref_slice %arg3[%mul3A_2] : memref<32768xi32, #tpu.memory_space<hbm>> -> memref<2048xi32, #tpu.memory_space<hbm>>
      %dma_start3A_37 = tpu.memref_slice %arg3[%mul3A_2] : memref<32768xi32, #tpu.memory_space<hbm>> -> memref<2048xi32, #tpu.memory_space<hbm>>
      tpu.enqueue_dma source(%dma_start3A_37 : memref<2048xi32, #tpu.memory_space<hbm>>) target(%arg12 : memref<2048xi32, #tpu.memory_space<vmem>>) target_semaphore(%run_scoped3A : memref<!tpu.dma_semaphore, #tpu.memory_space<semaphore_mem>>)
      %dma_wait3A = tpu.memref_slice %arg3[%mul3A_2] : memref<32768xi32, #tpu.memory_space<hbm>> -> memref<2048xi32, #tpu.memory_space<hbm>>
      %dma_wait3A_38 = tpu.memref_slice %arg3[%mul3A_2] : memref<32768xi32, #tpu.memory_space<hbm>> -> memref<2048xi32, #tpu.memory_space<hbm>>
      tpu.wait_dma2 semaphore(%run_scoped3A : memref<!tpu.dma_semaphore, #tpu.memory_space<semaphore_mem>>) src(%dma_wait3A_38 : memref<2048xi32, #tpu.memory_space<hbm>>) dst(%arg12 : memref<2048xi32, #tpu.memory_space<vmem>>)
      tpu.yield
    }) : () -> ()
    %mul3A_3 = arith.constant 8192 : i32
    %mul3A_4 = arith.muli %arg1, %mul3A_3 : i32
    "tpu.region"() ({
      %run_scoped3A = tpu.sem_alloc : memref<!tpu.dma_semaphore, #tpu.memory_space<semaphore_mem>>
      %dma_start3A = tpu.memref_slice %arg4[%mul3A_4] : memref<131072xf32, #tpu.memory_space<hbm>> -> memref<8192xf32, #tpu.memory_space<hbm>>
      %dma_start3A_37 = tpu.memref_slice %arg4[%mul3A_4] : memref<131072xf32, #tpu.memory_space<hbm>> -> memref<8192xf32, #tpu.memory_space<hbm>>
      tpu.enqueue_dma source(%dma_start3A_37 : memref<8192xf32, #tpu.memory_space<hbm>>) target(%arg13 : memref<8192xf32, #tpu.memory_space<vmem>>) target_semaphore(%run_scoped3A : memref<!tpu.dma_semaphore, #tpu.memory_space<semaphore_mem>>)
      %dma_wait3A = tpu.memref_slice %arg4[%mul3A_4] : memref<131072xf32, #tpu.memory_space<hbm>> -> memref<8192xf32, #tpu.memory_space<hbm>>
      %dma_wait3A_38 = tpu.memref_slice %arg4[%mul3A_4] : memref<131072xf32, #tpu.memory_space<hbm>> -> memref<8192xf32, #tpu.memory_space<hbm>>
      tpu.wait_dma2 semaphore(%run_scoped3A : memref<!tpu.dma_semaphore, #tpu.memory_space<semaphore_mem>>) src(%dma_wait3A_38 : memref<8192xf32, #tpu.memory_space<hbm>>) dst(%arg13 : memref<8192xf32, #tpu.memory_space<vmem>>)
      tpu.yield
    }) : () -> ()
    %mul3A_5 = arith.constant 2048 : i32
    %mul3A_6 = arith.muli %arg1, %mul3A_5 : i32
    "tpu.region"() ({
      %run_scoped3A = tpu.sem_alloc : memref<!tpu.dma_semaphore, #tpu.memory_space<semaphore_mem>>
      %dma_start3A = tpu.memref_slice %arg5[%mul3A_6] : memref<32768xf32, #tpu.memory_space<hbm>> -> memref<2048xf32, #tpu.memory_space<hbm>>
      %dma_start3A_37 = tpu.memref_slice %arg5[%mul3A_6] : memref<32768xf32, #tpu.memory_space<hbm>> -> memref<2048xf32, #tpu.memory_space<hbm>>
      tpu.enqueue_dma source(%dma_start3A_37 : memref<2048xf32, #tpu.memory_space<hbm>>) target(%arg14 : memref<2048xf32, #tpu.memory_space<vmem>>) target_semaphore(%run_scoped3A : memref<!tpu.dma_semaphore, #tpu.memory_space<semaphore_mem>>)
      %dma_wait3A = tpu.memref_slice %arg5[%mul3A_6] : memref<32768xf32, #tpu.memory_space<hbm>> -> memref<2048xf32, #tpu.memory_space<hbm>>
      %dma_wait3A_38 = tpu.memref_slice %arg5[%mul3A_6] : memref<32768xf32, #tpu.memory_space<hbm>> -> memref<2048xf32, #tpu.memory_space<hbm>>
      tpu.wait_dma2 semaphore(%run_scoped3A : memref<!tpu.dma_semaphore, #tpu.memory_space<semaphore_mem>>) src(%dma_wait3A_38 : memref<2048xf32, #tpu.memory_space<hbm>>) dst(%arg14 : memref<2048xf32, #tpu.memory_space<vmem>>)
      tpu.yield
    }) : () -> ()
    %eq3A = arith.constant 0 : i32
    %eq3A_7 = arith.cmpi eq, %arg1, %eq3A : i32
    %convert_element_type3A = arith.extui %eq3A_7 : i1 to i32
    %cond3A = arith.constant 0 : i32
    %cond3A_8 = arith.cmpi ne, %convert_element_type3A, %cond3A : i32
    scf.if %cond3A_8 {
      "tpu.region"() ({
        %run_scoped3A = tpu.sem_alloc : memref<!tpu.dma_semaphore, #tpu.memory_space<semaphore_mem>>
        tpu.enqueue_dma source(%arg8 : memref<32xf32, #tpu.memory_space<hbm>>) target(%arg20 : memref<32xf32, #tpu.memory_space<vmem_shared>>) target_semaphore(%run_scoped3A : memref<!tpu.dma_semaphore, #tpu.memory_space<semaphore_mem>>)
        tpu.wait_dma2 semaphore(%run_scoped3A : memref<!tpu.dma_semaphore, #tpu.memory_space<semaphore_mem>>) src(%arg8 : memref<32xf32, #tpu.memory_space<hbm>>) dst(%arg20 : memref<32xf32, #tpu.memory_space<vmem_shared>>)
        tpu.yield
      }) : () -> ()
    } else {
    }
    %barrier3A = arith.constant 0 : index
    tpu.barrier barrier_id(%barrier3A)
    %broadcast_in_dim3A = arith.constant 0.000000e+00 : f32
    %broadcast_in_dim3A_9 = vector.broadcast %broadcast_in_dim3A : f32 to vector<16xf32>
    %scan3A = arith.constant 0 : i32
    %scan3A_10 = arith.constant 128 : i32
    %scan3A_11 = arith.addi %scan3A, %scan3A_10 : i32
    %scan3A_12 = arith.constant 1 : i32
    %scan3A_13:4 = scf.for %scan3A_37 = %scan3A to %scan3A_11 step %scan3A_12 iter_args(%scan3A_38 = %broadcast_in_dim3A_9, %scan3A_39 = %broadcast_in_dim3A_9, %scan3A_40 = %broadcast_in_dim3A_9, %scan3A_41 = %broadcast_in_dim3A_9) -> (vector<16xf32>, vector<16xf32>, vector<16xf32>, vector<16xf32>)  : i32 {
      %mul3A_42 = arith.constant 4 : i32
      %mul3A_43 = arith.muli %scan3A_37, %mul3A_42 : i32
      %add3A_44 = arith.constant 0 : i32
      %add3A_45 = arith.addi %mul3A_43, %add3A_44 : i32
      %mul3A_46 = arith.constant 16 : i32
      %mul3A_47 = arith.muli %add3A_45, %mul3A_46 : i32
      %get3A = arith.index_cast %mul3A_47 : i32 to index
      %get3A_48 = tpu.vector_load %arg11[%get3A] {strides = array<i32>} : memref<8192xi32, #tpu.memory_space<vmem>>, vector<16xi32>,
      %gather3A = tpu.vector_load_idx %arg15[%get3A_48] : memref<1024xf32, #tpu.memory_space<vmem>>[vector<16xi32>], vector<16xf32>,
      %get3A_49 = arith.index_cast %mul3A_47 : i32 to index
      %get3A_50 = tpu.vector_load %arg13[%get3A_49] {strides = array<i32>} : memref<8192xf32, #tpu.memory_space<vmem>>, vector<16xf32>,
      %mul3A_51 = arith.mulf %get3A_50, %gather3A : vector<16xf32>
      %add3A_52 = arith.addf %scan3A_38, %mul3A_51 : vector<16xf32>
      %mul3A_53 = arith.constant 4 : i32
      %mul3A_54 = arith.muli %scan3A_37, %mul3A_53 : i32
      %add3A_55 = arith.constant 1 : i32
      %add3A_56 = arith.addi %mul3A_54, %add3A_55 : i32
      %mul3A_57 = arith.constant 16 : i32
      %mul3A_58 = arith.muli %add3A_56, %mul3A_57 : i32
      %get3A_59 = arith.index_cast %mul3A_58 : i32 to index
      %get3A_60 = tpu.vector_load %arg11[%get3A_59] {strides = array<i32>} : memref<8192xi32, #tpu.memory_space<vmem>>, vector<16xi32>,
      %gather3A_61 = tpu.vector_load_idx %arg15[%get3A_60] : memref<1024xf32, #tpu.memory_space<vmem>>[vector<16xi32>], vector<16xf32>,
      %get3A_62 = arith.index_cast %mul3A_58 : i32 to index
      %get3A_63 = tpu.vector_load %arg13[%get3A_62] {strides = array<i32>} : memref<8192xf32, #tpu.memory_space<vmem>>, vector<16xf32>,
      %mul3A_64 = arith.mulf %get3A_63, %gather3A_61 : vector<16xf32>
      %add3A_65 = arith.addf %scan3A_39, %mul3A_64 : vector<16xf32>
      %mul3A_66 = arith.constant 4 : i32
      %mul3A_67 = arith.muli %scan3A_37, %mul3A_66 : i32
      %add3A_68 = arith.constant 2 : i32
      %add3A_69 = arith.addi %mul3A_67, %add3A_68 : i32
      %mul3A_70 = arith.constant 16 : i32
      %mul3A_71 = arith.muli %add3A_69, %mul3A_70 : i32
      %get3A_72 = arith.index_cast %mul3A_71 : i32 to index
      %get3A_73 = tpu.vector_load %arg11[%get3A_72] {strides = array<i32>} : memref<8192xi32, #tpu.memory_space<vmem>>, vector<16xi32>,
      %gather3A_74 = tpu.vector_load_idx %arg15[%get3A_73] : memref<1024xf32, #tpu.memory_space<vmem>>[vector<16xi32>], vector<16xf32>,
      %get3A_75 = arith.index_cast %mul3A_71 : i32 to index
      %get3A_76 = tpu.vector_load %arg13[%get3A_75] {strides = array<i32>} : memref<8192xf32, #tpu.memory_space<vmem>>, vector<16xf32>,
      %mul3A_77 = arith.mulf %get3A_76, %gather3A_74 : vector<16xf32>
      %add3A_78 = arith.addf %scan3A_40, %mul3A_77 : vector<16xf32>
      %mul3A_79 = arith.constant 4 : i32
      %mul3A_80 = arith.muli %scan3A_37, %mul3A_79 : i32
      %add3A_81 = arith.constant 3 : i32
      %add3A_82 = arith.addi %mul3A_80, %add3A_81 : i32
      %mul3A_83 = arith.constant 16 : i32
      %mul3A_84 = arith.muli %add3A_82, %mul3A_83 : i32
      %get3A_85 = arith.index_cast %mul3A_84 : i32 to index
      %get3A_86 = tpu.vector_load %arg11[%get3A_85] {strides = array<i32>} : memref<8192xi32, #tpu.memory_space<vmem>>, vector<16xi32>,
      %gather3A_87 = tpu.vector_load_idx %arg15[%get3A_86] : memref<1024xf32, #tpu.memory_space<vmem>>[vector<16xi32>], vector<16xf32>,
      %get3A_88 = arith.index_cast %mul3A_84 : i32 to index
      %get3A_89 = tpu.vector_load %arg13[%get3A_88] {strides = array<i32>} : memref<8192xf32, #tpu.memory_space<vmem>>, vector<16xf32>,
      %mul3A_90 = arith.mulf %get3A_89, %gather3A_87 : vector<16xf32>
      %add3A_91 = arith.addf %scan3A_41, %mul3A_90 : vector<16xf32>
      scf.yield %add3A_52, %add3A_65, %add3A_78, %add3A_91 : vector<16xf32>, vector<16xf32>, vector<16xf32>, vector<16xf32>
    }
    %scan3A_14 = arith.constant 128 : i32
    %add3A = arith.addf %scan3A_13#0, %scan3A_13#1 : vector<16xf32>
    %add3A_15 = arith.addf %add3A, %scan3A_13#2 : vector<16xf32>
    %add3A_16 = arith.addf %add3A_15, %scan3A_13#3 : vector<16xf32>
    %broadcast_in_dim3A_17 = arith.constant 0.000000e+00 : f32
    %broadcast_in_dim3A_18 = vector.broadcast %broadcast_in_dim3A_17 : f32 to vector<16xf32>
    %scan3A_19 = arith.constant 0 : i32
    %scan3A_20 = arith.constant 32 : i32
    %scan3A_21 = arith.addi %scan3A_19, %scan3A_20 : i32
    %scan3A_22 = arith.constant 1 : i32
    %scan3A_23:4 = scf.for %scan3A_37 = %scan3A_19 to %scan3A_21 step %scan3A_22 iter_args(%scan3A_38 = %broadcast_in_dim3A_18, %scan3A_39 = %broadcast_in_dim3A_18, %scan3A_40 = %broadcast_in_dim3A_18, %scan3A_41 = %broadcast_in_dim3A_18) -> (vector<16xf32>, vector<16xf32>, vector<16xf32>, vector<16xf32>)  : i32 {
      %mul3A_42 = arith.constant 4 : i32
      %mul3A_43 = arith.muli %scan3A_37, %mul3A_42 : i32
      %add3A_44 = arith.constant 0 : i32
      %add3A_45 = arith.addi %mul3A_43, %add3A_44 : i32
      %mul3A_46 = arith.constant 16 : i32
      %mul3A_47 = arith.muli %add3A_45, %mul3A_46 : i32
      %get3A = arith.index_cast %mul3A_47 : i32 to index
      %get3A_48 = tpu.vector_load %arg12[%get3A] {strides = array<i32>} : memref<2048xi32, #tpu.memory_space<vmem>>, vector<16xi32>,
      %gather3A = tpu.vector_load_idx %arg15[%get3A_48] : memref<1024xf32, #tpu.memory_space<vmem>>[vector<16xi32>], vector<16xf32>,
      %get3A_49 = arith.index_cast %mul3A_47 : i32 to index
      %get3A_50 = tpu.vector_load %arg14[%get3A_49] {strides = array<i32>} : memref<2048xf32, #tpu.memory_space<vmem>>, vector<16xf32>,
      %mul3A_51 = arith.mulf %get3A_50, %gather3A : vector<16xf32>
      %add3A_52 = arith.addf %scan3A_38, %mul3A_51 : vector<16xf32>
      %mul3A_53 = arith.constant 4 : i32
      %mul3A_54 = arith.muli %scan3A_37, %mul3A_53 : i32
      %add3A_55 = arith.constant 1 : i32
      %add3A_56 = arith.addi %mul3A_54, %add3A_55 : i32
      %mul3A_57 = arith.constant 16 : i32
      %mul3A_58 = arith.muli %add3A_56, %mul3A_57 : i32
      %get3A_59 = arith.index_cast %mul3A_58 : i32 to index
      %get3A_60 = tpu.vector_load %arg12[%get3A_59] {strides = array<i32>} : memref<2048xi32, #tpu.memory_space<vmem>>, vector<16xi32>,
      %gather3A_61 = tpu.vector_load_idx %arg15[%get3A_60] : memref<1024xf32, #tpu.memory_space<vmem>>[vector<16xi32>], vector<16xf32>,
      %get3A_62 = arith.index_cast %mul3A_58 : i32 to index
      %get3A_63 = tpu.vector_load %arg14[%get3A_62] {strides = array<i32>} : memref<2048xf32, #tpu.memory_space<vmem>>, vector<16xf32>,
      %mul3A_64 = arith.mulf %get3A_63, %gather3A_61 : vector<16xf32>
      %add3A_65 = arith.addf %scan3A_39, %mul3A_64 : vector<16xf32>
      %mul3A_66 = arith.constant 4 : i32
      %mul3A_67 = arith.muli %scan3A_37, %mul3A_66 : i32
      %add3A_68 = arith.constant 2 : i32
      %add3A_69 = arith.addi %mul3A_67, %add3A_68 : i32
      %mul3A_70 = arith.constant 16 : i32
      %mul3A_71 = arith.muli %add3A_69, %mul3A_70 : i32
      %get3A_72 = arith.index_cast %mul3A_71 : i32 to index
      %get3A_73 = tpu.vector_load %arg12[%get3A_72] {strides = array<i32>} : memref<2048xi32, #tpu.memory_space<vmem>>, vector<16xi32>,
      %gather3A_74 = tpu.vector_load_idx %arg15[%get3A_73] : memref<1024xf32, #tpu.memory_space<vmem>>[vector<16xi32>], vector<16xf32>,
      %get3A_75 = arith.index_cast %mul3A_71 : i32 to index
      %get3A_76 = tpu.vector_load %arg14[%get3A_75] {strides = array<i32>} : memref<2048xf32, #tpu.memory_space<vmem>>, vector<16xf32>,
      %mul3A_77 = arith.mulf %get3A_76, %gather3A_74 : vector<16xf32>
      %add3A_78 = arith.addf %scan3A_40, %mul3A_77 : vector<16xf32>
      %mul3A_79 = arith.constant 4 : i32
      %mul3A_80 = arith.muli %scan3A_37, %mul3A_79 : i32
      %add3A_81 = arith.constant 3 : i32
      %add3A_82 = arith.addi %mul3A_80, %add3A_81 : i32
      %mul3A_83 = arith.constant 16 : i32
      %mul3A_84 = arith.muli %add3A_82, %mul3A_83 : i32
      %get3A_85 = arith.index_cast %mul3A_84 : i32 to index
      %get3A_86 = tpu.vector_load %arg12[%get3A_85] {strides = array<i32>} : memref<2048xi32, #tpu.memory_space<vmem>>, vector<16xi32>,
      %gather3A_87 = tpu.vector_load_idx %arg15[%get3A_86] : memref<1024xf32, #tpu.memory_space<vmem>>[vector<16xi32>], vector<16xf32>,
      %get3A_88 = arith.index_cast %mul3A_84 : i32 to index
      %get3A_89 = tpu.vector_load %arg14[%get3A_88] {strides = array<i32>} : memref<2048xf32, #tpu.memory_space<vmem>>, vector<16xf32>,
      %mul3A_90 = arith.mulf %get3A_89, %gather3A_87 : vector<16xf32>
      %add3A_91 = arith.addf %scan3A_41, %mul3A_90 : vector<16xf32>
      scf.yield %add3A_52, %add3A_65, %add3A_78, %add3A_91 : vector<16xf32>, vector<16xf32>, vector<16xf32>, vector<16xf32>
    }
    %scan3A_24 = arith.constant 32 : i32
    %add3A_25 = arith.addf %scan3A_23#0, %scan3A_23#1 : vector<16xf32>
    %add3A_26 = arith.addf %add3A_25, %scan3A_23#2 : vector<16xf32>
    %add3A_27 = arith.addf %add3A_26, %scan3A_23#3 : vector<16xf32>
    %swap3A = arith.constant 0 : index
    %swap3A_28 = tpu.vector_load %arg16[%swap3A] {strides = array<i32>} : memref<32xf32, #tpu.memory_space<vmem>>, vector<16xf32>,
    tpu.vector_store %arg16[%swap3A], %add3A_16 {strides = array<i32>} : memref<32xf32, #tpu.memory_space<vmem>>, vector<16xf32>,
    %swap3A_29 = arith.constant 16 : index
    %swap3A_30 = tpu.vector_load %arg16[%swap3A_29] {strides = array<i32>} : memref<32xf32, #tpu.memory_space<vmem>>, vector<16xf32>,
    tpu.vector_store %arg16[%swap3A_29], %add3A_27 {strides = array<i32>} : memref<32xf32, #tpu.memory_space<vmem>>, vector<16xf32>,
    "tpu.region"() ({
      %run_scoped3A = tpu.sem_alloc : memref<!tpu.dma_semaphore, #tpu.memory_space<semaphore_mem>>
      %dma_start3A = arith.constant 0 : i32
      %dma_start3A_37 = tpu.memref_slice %arg20[%dma_start3A] : memref<32xf32, #tpu.memory_space<vmem_shared>> -> memref<32xf32, #tpu.memory_space<vmem_shared>>
      tpu.enqueue_indirect_dma source(%arg16 : memref<32xf32, #tpu.memory_space<vmem>>) target(%dma_start3A_37 : memref<32xf32, #tpu.memory_space<vmem_shared>>) offsets(%arg19 : memref<32xi32, #tpu.memory_space<vmem>>) semaphore(%run_scoped3A : memref<!tpu.dma_semaphore, #tpu.memory_space<semaphore_mem>>) {add = true}
      %dma_wait3A = arith.constant 0 : i32
      %dma_wait3A_38 = tpu.memref_slice %arg20[%dma_wait3A] : memref<32xf32, #tpu.memory_space<vmem_shared>> -> memref<32xf32, #tpu.memory_space<vmem_shared>>
      tpu.wait_indirect_dma semaphore(%run_scoped3A : memref<!tpu.dma_semaphore, #tpu.memory_space<semaphore_mem>>) src(%arg16 : memref<32xf32, #tpu.memory_space<vmem>>) dst(%dma_wait3A_38 : memref<32xf32, #tpu.memory_space<vmem_shared>>)
      tpu.yield
    }) : () -> ()
    %barrier3A_31 = arith.constant 0 : index
    tpu.barrier barrier_id(%barrier3A_31)
    %eq3A_32 = arith.constant 0 : i32
    %eq3A_33 = arith.cmpi eq, %arg1, %eq3A_32 : i32
    %convert_element_type3A_34 = arith.extui %eq3A_33 : i1 to i32
    %cond3A_35 = arith.constant 0 : i32
    %cond3A_36 = arith.cmpi ne, %convert_element_type3A_34, %cond3A_35 : i32
    scf.if %cond3A_36 {
      "tpu.region"() ({
        %run_scoped3A = tpu.sem_alloc : memref<!tpu.dma_semaphore, #tpu.memory_space<semaphore_mem>>
        tpu.enqueue_dma source(%arg20 : memref<32xf32, #tpu.memory_space<vmem_shared>>) target(%arg17 : memref<32xf32, #tpu.memory_space<vmem>>) target_semaphore(%run_scoped3A : memref<!tpu.dma_semaphore, #tpu.memory_space<semaphore_mem>>)
        tpu.wait_dma2 semaphore(%run_scoped3A : memref<!tpu.dma_semaphore, #tpu.memory_space<semaphore_mem>>) src(%arg20 : memref<32xf32, #tpu.memory_space<vmem_shared>>) dst(%arg17 : memref<32xf32, #tpu.memory_space<vmem>>)
        tpu.yield
      }) : () -> ()
      %get3A = arith.constant 0 : index
      %get3A_37 = tpu.vector_load %arg17[%get3A] {strides = array<i32>} : memref<32xf32, #tpu.memory_space<vmem>>, vector<16xf32>,
      %reduce_sum3A = arith.constant true
      %reduce_sum3A_38 = vector.broadcast %reduce_sum3A : i1 to vector<16xi1>
      %reduce_sum3A_39 = tpu.scan <sum>, %get3A_37 masked %reduce_sum3A_38 : vector<16xf32>, vector<16xi1> -> vector<16xf32>
      %reduce_sum3A_40 = vector.extract %reduce_sum3A_39[15] : f32 from vector<16xf32>
      %mul3A_41 = arith.constant 9.765625E-4 : f32
      %mul3A_42 = arith.mulf %reduce_sum3A_40, %mul3A_41 : f32
      %get3A_43 = arith.constant 16 : index
      %get3A_44 = tpu.vector_load %arg17[%get3A_43] {strides = array<i32>} : memref<32xf32, #tpu.memory_space<vmem>>, vector<16xf32>,
      %reduce_sum3A_45 = arith.constant true
      %reduce_sum3A_46 = vector.broadcast %reduce_sum3A_45 : i1 to vector<16xi1>
      %reduce_sum3A_47 = tpu.scan <sum>, %get3A_44 masked %reduce_sum3A_46 : vector<16xf32>, vector<16xi1> -> vector<16xf32>
      %reduce_sum3A_48 = vector.extract %reduce_sum3A_47[15] : f32 from vector<16xf32>
      %mul3A_49 = arith.constant 9.765625E-4 : f32
      %mul3A_50 = arith.mulf %reduce_sum3A_48, %mul3A_49 : f32
      %broadcast_in_dim3A_51 = vector.broadcast %mul3A_42 : f32 to vector<16xf32>
      %swap3A_52 = arith.constant 0 : index
      %swap3A_53 = tpu.vector_load %arg18[%swap3A_52] {strides = array<i32>} : memref<16xf32, #tpu.memory_space<vmem>>, vector<16xf32>,
      tpu.vector_store %arg18[%swap3A_52], %broadcast_in_dim3A_51 {strides = array<i32>} : memref<16xf32, #tpu.memory_space<vmem>>, vector<16xf32>,
      "tpu.region"() ({
        %run_scoped3A = tpu.sem_alloc : memref<!tpu.dma_semaphore, #tpu.memory_space<semaphore_mem>>
        tpu.enqueue_dma source(%arg18 : memref<16xf32, #tpu.memory_space<vmem>>) target(%arg9 : memref<16xf32, #tpu.memory_space<hbm>>) target_semaphore(%run_scoped3A : memref<!tpu.dma_semaphore, #tpu.memory_space<semaphore_mem>>)
        tpu.wait_dma2 semaphore(%run_scoped3A : memref<!tpu.dma_semaphore, #tpu.memory_space<semaphore_mem>>) src(%arg18 : memref<16xf32, #tpu.memory_space<vmem>>) dst(%arg9 : memref<16xf32, #tpu.memory_space<hbm>>)
        tpu.yield
      }) : () -> ()
      %broadcast_in_dim3A_54 = vector.broadcast %mul3A_50 : f32 to vector<16xf32>
      %swap3A_55 = arith.constant 0 : index
      %swap3A_56 = tpu.vector_load %arg18[%swap3A_55] {strides = array<i32>} : memref<16xf32, #tpu.memory_space<vmem>>, vector<16xf32>,
      tpu.vector_store %arg18[%swap3A_55], %broadcast_in_dim3A_54 {strides = array<i32>} : memref<16xf32, #tpu.memory_space<vmem>>, vector<16xf32>,
      "tpu.region"() ({
        %run_scoped3A = tpu.sem_alloc : memref<!tpu.dma_semaphore, #tpu.memory_space<semaphore_mem>>
        tpu.enqueue_dma source(%arg18 : memref<16xf32, #tpu.memory_space<vmem>>) target(%arg10 : memref<16xf32, #tpu.memory_space<hbm>>) target_semaphore(%run_scoped3A : memref<!tpu.dma_semaphore, #tpu.memory_space<semaphore_mem>>)
        tpu.wait_dma2 semaphore(%run_scoped3A : memref<!tpu.dma_semaphore, #tpu.memory_space<semaphore_mem>>) src(%arg18 : memref<16xf32, #tpu.memory_space<vmem>>) dst(%arg10 : memref<16xf32, #tpu.memory_space<hbm>>)
        tpu.yield
      }) : () -> ()
    } else {
    }
    return
  }
}

module attributes {stable_mosaic.version = 14 : i64} {
  func.func @_nll_body(%arg0: i32, %arg1: memref<17x1024xf32, #tpu.memory_space<vmem>>, %arg2: memref<1024xi32, #tpu.memory_space<vmem>>, %arg3: memref<65x16x256xf32, #tpu.memory_space<vmem>>, %arg4: memref<16x256xi32, #tpu.memory_space<vmem>>, %arg5: memref<1024xf32, #tpu.memory_space<vmem>>, %arg6: memref<256xf32, #tpu.memory_space<vmem>>) attributes {dimension_semantics = [#tpu.dimension_semantics<arbitrary>], iteration_bounds = array<i64: 128>, scalar_prefetch = 0 : i64, scratch_operands = 0 : i64, tpu.core_type = #tpu.core_type<tc>, window_params = [{transform_indices = @transform_0, window_bounds = array<i64: 17, 1024>}, {transform_indices = @transform_1, window_bounds = array<i64: 1024>}, {transform_indices = @transform_2, window_bounds = array<i64: 65, 16, 256>}, {transform_indices = @transform_3, window_bounds = array<i64: 16, 256>}, {transform_indices = @transform_4, window_bounds = array<i64: 1024>}, {transform_indices = @transform_5, window_bounds = array<i64: 256>}]} {
    %get3A = arith.constant 0 : index
    %get3A_0 = arith.constant 0 : index
    %get3A_1 = vector.load %arg1[%get3A, %get3A_0] : memref<17x1024xf32, #tpu.memory_space<vmem>>, vector<17x1024xf32>
    %exp3A = math.exp %get3A_1 : vector<17x1024xf32>
    %reduce_sum3A = arith.constant dense<0.000000e+00> : vector<1024xf32>
    %reduce_sum3A_2 = vector.multi_reduction <add>, %exp3A, %reduce_sum3A [0] : vector<17x1024xf32> to vector<1024xf32>
    %log3A = math.log %reduce_sum3A_2 : vector<1024xf32>
    %get3A_3 = arith.constant 0 : index
    %get3A_4 = vector.load %arg2[%get3A_3] : memref<1024xi32, #tpu.memory_space<vmem>>, vector<1024xi32>
    %iota3A = tpu.iota {dimensions = array<i32: 0>} : vector<17x1024xi32>
    %broadcast_in_dim3A = vector.shape_cast %get3A_4 : vector<1024xi32> to vector<1x1024xi32>
    %eq3A = vector.broadcast %broadcast_in_dim3A : vector<1x1024xi32> to vector<17x1024xi32>
    %eq3A_5 = arith.cmpi eq, %iota3A, %eq3A : vector<17x1024xi32>
    %jit3A = arith.constant 0.000000e+00 : f32
    %broadcast_in_dim3A_6 = vector.broadcast %jit3A : f32 to vector<17x1024xf32>
    %select_n3A = arith.select %eq3A_5, %get3A_1, %broadcast_in_dim3A_6 : vector<17x1024xi1>, vector<17x1024xf32>
    %reduce_sum3A_7 = arith.constant dense<0.000000e+00> : vector<1024xf32>
    %reduce_sum3A_8 = vector.multi_reduction <add>, %select_n3A, %reduce_sum3A_7 [0] : vector<17x1024xf32> to vector<1024xf32>
    %sub3A = arith.subf %log3A, %reduce_sum3A_8 : vector<1024xf32>
    %swap3A = arith.constant 0 : index
    %swap3A_9 = vector.load %arg5[%swap3A] : memref<1024xf32, #tpu.memory_space<vmem>>, vector<1024xf32>
    tpu.vector_store %arg5[%swap3A], %sub3A {strides = array<i32>} : memref<1024xf32, #tpu.memory_space<vmem>>, vector<1024xf32>,
    %get3A_10 = arith.constant 0 : index
    %get3A_11 = arith.constant 0 : index
    %get3A_12 = arith.constant 0 : index
    %get3A_13 = vector.load %arg3[%get3A_10, %get3A_11, %get3A_12] : memref<65x16x256xf32, #tpu.memory_space<vmem>>, vector<65x16x256xf32>
    %exp3A_14 = math.exp %get3A_13 : vector<65x16x256xf32>
    %reduce_sum3A_15 = arith.constant dense<0.000000e+00> : vector<16x256xf32>
    %reduce_sum3A_16 = vector.multi_reduction <add>, %exp3A_14, %reduce_sum3A_15 [0] : vector<65x16x256xf32> to vector<16x256xf32>
    %log3A_17 = math.log %reduce_sum3A_16 : vector<16x256xf32>
    %get3A_18 = arith.constant 0 : index
    %get3A_19 = arith.constant 0 : index
    %get3A_20 = vector.load %arg4[%get3A_18, %get3A_19] : memref<16x256xi32, #tpu.memory_space<vmem>>, vector<16x256xi32>
    %iota3A_21 = tpu.iota {dimensions = array<i32: 0>} : vector<65x16x256xi32>
    %broadcast_in_dim3A_22 = vector.shape_cast %get3A_20 : vector<16x256xi32> to vector<1x16x256xi32>
    %eq3A_23 = vector.broadcast %broadcast_in_dim3A_22 : vector<1x16x256xi32> to vector<65x16x256xi32>
    %eq3A_24 = arith.cmpi eq, %iota3A_21, %eq3A_23 : vector<65x16x256xi32>
    %jit3A_25 = arith.constant 0.000000e+00 : f32
    %broadcast_in_dim3A_26 = vector.broadcast %jit3A_25 : f32 to vector<65x16x256xf32>
    %select_n3A_27 = arith.select %eq3A_24, %get3A_13, %broadcast_in_dim3A_26 : vector<65x16x256xi1>, vector<65x16x256xf32>
    %reduce_sum3A_28 = arith.constant dense<0.000000e+00> : vector<16x256xf32>
    %reduce_sum3A_29 = vector.multi_reduction <add>, %select_n3A_27, %reduce_sum3A_28 [0] : vector<65x16x256xf32> to vector<16x256xf32>
    %sub3A_30 = arith.subf %log3A_17, %reduce_sum3A_29 : vector<16x256xf32>
    %reduce_sum3A_31 = arith.constant dense<0.000000e+00> : vector<256xf32>
    %reduce_sum3A_32 = vector.multi_reduction <add>, %sub3A_30, %reduce_sum3A_31 [0] : vector<16x256xf32> to vector<256xf32>
    %swap3A_33 = arith.constant 0 : index
    %swap3A_34 = vector.load %arg6[%swap3A_33] : memref<256xf32, #tpu.memory_space<vmem>>, vector<256xf32>
    tpu.vector_store %arg6[%swap3A_33], %reduce_sum3A_32 {strides = array<i32>} : memref<256xf32, #tpu.memory_space<vmem>>, vector<256xf32>,
    return
  }
  func.func @transform_0(%arg0: i32) -> (i32, i32) {
    %c0_i32 = arith.constant 0 : i32
    %c0_i32_0 = arith.constant 0 : i32
    return %c0_i32, %arg0 : i32, i32
  }
  func.func @transform_1(%arg0: i32) -> i32 {
    %c0_i32 = arith.constant 0 : i32
    return %arg0 : i32
  }
  func.func @transform_2(%arg0: i32) -> (i32, i32, i32) {
    %c0_i32 = arith.constant 0 : i32
    %c0_i32_0 = arith.constant 0 : i32
    %c0_i32_1 = arith.constant 0 : i32
    return %c0_i32, %c0_i32_0, %arg0 : i32, i32, i32
  }
  func.func @transform_3(%arg0: i32) -> (i32, i32) {
    %c0_i32 = arith.constant 0 : i32
    %c0_i32_0 = arith.constant 0 : i32
    return %c0_i32, %arg0 : i32, i32
  }
  func.func @transform_4(%arg0: i32) -> i32 {
    %c0_i32 = arith.constant 0 : i32
    return %arg0 : i32
  }
  func.func @transform_5(%arg0: i32) -> i32 {
    %c0_i32 = arith.constant 0 : i32
    return %arg0 : i32
  }
}

</mosaic_0001>

<sc_bundles>
// kernel: kernel.5.cloned.1.call-start
scs
__scs_entry_jumppad:
0x0: {  	(pc) =	sbr.rel $0x88, $3  }
0x1: {  	(tag) =	ssettag $0x0;
	lr =	simm.s32 $0x1  }
0x2: {  	[smem:$0x3F9B] =	sst lr;
	_ =	strace $0xD0000000  }
0x3: {  	_ = 	snop  }
0x4: {  	_ = 	snop  }
0x5: {  	_ = 	snop  }
0x6: {  	_ = 	snop  }
0x7: {  	_ = 	snop  }
__scs_overlays_trampoline_lowered:
0x8: {  	[smem:$0x3FAA] =	sst s0  }
0x9: {  	[smem:$0x3FAB] =	sst s1  }
0xa: {  	[smem:$0x3FAC] =	sst s2  }
0xb: {  	[smem:$0x3FAD] =	sst s3  }
0xc: {  	[smem:$0x3FAE] =	sst s4  }
0xd: {  	[smem:$0x3FAF] =	sst s5  }
0xe: {  	[smem:$0x3FB0] =	sst s6  }
0xf: {  	[smem:$0x3FB1] =	sst s7  }
0x10: {  	[smem:$0x3FB2] =	sst s8  }
0x11: {  	[smem:$0x3FB3] =	sst s9;
	s0 =	simm.s32 @!p0 $0x0  }
0x12: {  	s1 =	sld [smem:$0x3F99];
	s0 =	simm.s32 @p0 $0x1  }
0x13: {  	[smem:$0x3FB4] =	sst s0;
	s0 =	simm.s32 @!p1 $0x0  }
0x14: {  	s2 =	sld [smem:$0x3F98];
	s0 =	simm.s32 @p1 $0x1  }
0x15: {  	[smem:$0x3FB5] =	sst s0;
	s0 =	simm.s32 @!p2 $0x0  }
0x16: {  	s3 =	sld [smem:$0x3FDB];
	s0 =	simm.s32 @p2 $0x1  }
0x17: {  	s4 =	simm.s32 $0x1BF5;
	[smem:$0x3FB7] =	sst s0  }
0x18: {  	s0 =	sld [smem:$0x3F9A];
	_ =	swait.ge [sflag:s4], $0x0  }
0x19: {  	s7 =	sld [smem:$0x3F9B]  }
0x1a: {  	s8 =	sadd.s32 $0xFFFFE003, lr  }
0x1b: {  	s9 =	sadd.s32 $0xFFFFFEF7, lr;
	s5 =	simm.s32 $0xFFFFFFFF;
	p2 =	slt.u32 s8, $0xFFFFF086  }
0x1c: {  	p1 =	slt.u32 s9, $0xF7A;
	s5 =	simm.s32 @!p2 $0x0  }
0x1d: {  	s5 =	simm.s32 @p1 $0x1;
	p0 =	seq.s32 s7, s2  }
0x1e: {  	s7 =	smul.u32 @!p0 $0xF7A, s2;
	p2 =	seq.s32 @!p0 s5, $0x0  }
0x1f: {  	s9 =	smul.u32 $0xF7A, s1;
	s8 =	simm.s32 @!p0 $0x1BF5;
	p2 =	por !p2, p0  }
0x20: {  	[sflag:s8] =	ssyncset.s32 @!p0 $0xFFFFF086;
	s6 =	sadd.s32 @!p0 s3, s7;
	s7 =	simm.s32 @!p0 $0x108  }
0x21: {  	s3 =	sadd.s32 s3, s9;
	s6 =	sadd.s32 @!p0 $0x88, s6;
	s7 =	simm.s32 @p2 $0x1082  }
0x22: {  	[simem:s7], [sflag:s8] =	dma.local @!p0 [hbm:s6], $0xF7A  }
0x23: {  	s9 =	sor.u32 $0xD0000000, s2;
	s6 =	simm.s32 $0x108;
	_ =	swait.ge @!p0 [sflag:s8], $0x0  }
0x24: {  	s3 =	sadd.s32 $0x88, s3;
	s6 =	simm.s32 @!p1 $0x1082;
	[sflag:s4] =	ssyncset.s32 $0xFFFFF086  }
0x25: {  	[simem:s6], [sflag:s4] =	dma.local [hbm:s3], $0xF7A  }
0x26: {  	[smem:$0x3F9B] =	sst s1;
	(tag) =	ssettag s2;
	_ =	strace s9  }
0x27: {  	s1 =	sld [smem:$0x3FAB]  }
0x28: {  	s2 =	sld [smem:$0x3FAC]  }
0x29: {  	s4 =	sld [smem:$0x3FAE]  }
0x2a: {  	p0 =	seq.s32 s5, $0x0;
	s5 =	sld [smem:$0x3FAF]  }
0x2b: {  	s6 =	sld [smem:$0x3FB0]  }
0x2c: {  	s7 =	sld [smem:$0x3FB1]  }
0x2d: {  	s3 =	simm.s32 $0x108;
	s8 =	sld [smem:$0x3FB2]  }
0x2e: {  	s3 =	simm.s32 @!p0 $0x1082;
	s9 =	sld [smem:$0x3FB3]  }
0x2f: {  	lr =	sadd.s32 s0, s3;
	s0 =	sld [smem:$0x3FAA]  }
0x30: {  	s3 =	sld [smem:$0x3FAD]  }
0x31: {  	[smem:$0x3FB6] =	sst s10  }
0x32: {  	s10 =	sld [smem:$0x3FB4];
	_ =	sdelay $0x3  }
0x33: {  	p0 =	seq.s32 s10, $0x1;
	s10 =	sld [smem:$0x3FB6];
	_ =	sdelay $0x3  }
0x34: {  	[smem:$0x3FB6] =	sst s10  }
0x35: {  	s10 =	sld [smem:$0x3FB5];
	_ =	sdelay $0x3  }
0x36: {  	p1 =	seq.s32 s10, $0x1;
	s10 =	sld [smem:$0x3FB6];
	_ =	sdelay $0x3  }
0x37: {  	[smem:$0x3FB6] =	sst s10  }
0x38: {  	s10 =	sld [smem:$0x3FB7]  }
0x39: {  	_ = 	snop;
	(pc) =	sbr.ind lr, $3  }
0x3a: {  	_ = 	snop  }
0x3b: {  	_ = 	snop  }
0x3c: {  	p2 =	seq.s32 s10, $0x1;
	s10 =	sld [smem:$0x3FB6]  }
0x3d: {  	_ =	shalt  }
0x3e: {  	_ =	shalt  }
0x3f: {  	_ =	shalt  }
0x40: {  	_ =	shalt  }
0x41: {  	_ =	shalt  }
0x42: {  	_ =	shalt  }
0x43: {  	_ =	shalt  }
0x44: {  	_ =	shalt  }
0x45: {  	_ =	shalt  }
0x46: {  	_ =	shalt  }
0x47: {  	_ =	shalt  }
0x48: {  	_ =	shalt  }
0x49: {  	_ =	shalt  }
0x4a: {  	_ =	shalt  }
0x4b: {  	_ =	shalt  }
0x4c: {  	_ =	shalt  }
0x4d: {  	_ =	shalt  }
0x4e: {  	_ =	shalt  }
0x4f: {  	_ =	shalt  }
0x50: {  	_ =	shalt  }
0x51: {  	_ =	shalt  }
0x52: {  	_ =	shalt  }
0x53: {  	_ =	shalt  }
0x54: {  	_ =	shalt  }
0x55: {  	_ =	shalt  }
0x56: {  	_ =	shalt  }
0x57: {  	_ =	shalt  }
0x58: {  	_ =	shalt  }
0x59: {  	_ =	shalt  }
0x5a: {  	_ =	shalt  }
0x5b: {  	_ =	shalt  }
0x5c: {  	_ =	shalt  }
0x5d: {  	_ =	shalt  }
0x5e: {  	_ =	shalt  }
0x5f: {  	_ =	shalt  }
0x60: {  	_ =	shalt  }
0x61: {  	_ =	shalt  }
0x62: {  	_ =	shalt  }
0x63: {  	_ =	shalt  }
0x64: {  	_ =	shalt  }
0x65: {  	_ =	shalt  }
0x66: {  	_ =	shalt  }
0x67: {  	_ =	shalt  }
0x68: {  	_ =	shalt  }
0x69: {  	_ =	shalt  }
0x6a: {  	_ =	shalt  }
0x6b: {  	_ =	shalt  }
0x6c: {  	_ =	shalt  }
0x6d: {  	_ =	shalt  }
0x6e: {  	_ =	shalt  }
0x6f: {  	_ =	shalt  }
0x70: {  	_ =	shalt  }
0x71: {  	_ =	shalt  }
0x72: {  	_ =	shalt  }
0x73: {  	_ =	shalt  }
0x74: {  	_ =	shalt  }
0x75: {  	_ =	shalt  }
0x76: {  	_ =	shalt  }
0x77: {  	_ =	shalt  }
0x78: {  	_ =	shalt  }
0x79: {  	_ =	shalt  }
0x7a: {  	_ =	shalt  }
0x7b: {  	_ =	shalt  }
0x7c: {  	_ =	shalt  }
0x7d: {  	_ =	shalt  }
0x7e: {  	_ =	shalt  }
0x7f: {  	_ =	shalt  }
0x80: {  	_ =	shalt  }
0x81: {  	_ =	shalt  }
0x82: {  	_ =	shalt  }
0x83: {  	_ =	shalt  }
0x84: {  	_ =	shalt  }
0x85: {  	_ =	shalt  }
0x86: {  	_ =	shalt  }
0x87: {  	_ =	shalt  }
.Lfunc_end0:
.L_simem_size_0:
called_computation_lowered:
.L_overlay_start_0:
0x88: {  	s0 =	sld [smem:$0x3FD9]  }
0x89: {  	s1 =	sld [smem:$0x3FFE];
	_ =	sdelay $0x3  }
0x8a: {  	s0 =	sadd.s32 s1, s0  }
0x8b: {  	[smem:$0x3FC2] =	sst s0  }
0x8c: {  	_ = 	snop  }
0x8d: {  	s0 =	sld [smem:$0x3FC5]  }
0x8e: {  	s16 =	sld [smem:$0x3FC4];
	(tm) =	ssettm $0x1  }
0x8f: {  	s2 =	sld [smem:$0x3FFB];
	_ =	sdelay $0x3  }
0x90: {  	_ =	strace s2  }
0x91: {  	s2 =	sld [smem:$0x3FFC];
	_ =	sdelay $0x3  }
0x92: {  	_ =	strace s2  }
0x93: {  	s2 =	sld [smem:$0x3FFD];
	_ =	sdelay $0x3  }
0x94: {  	_ =	strace s2  }
0x95: {  	_ =	strace $0x8FFFFFFF  }
0x96: {  	s17 =	sld [smem:$0x3FDB];
	_ =	sdelay $0x1  }
0x97: {  	s3 =	simm.s32 $_scs_section_size  }
0x98: {  	s4 =	simm.s32 $_size__tile_overlayer_lowered;
	s5 =	simm.s32 $_tile_overlayer_lowered  }
0x99: {  	s20 =	simm.s32 $0x1BFF;
	s19 =	sshll.u32 s5, $0x1;
	s2 =	sadd.s32 s3, s17  }
0x9a: {  	s6 =	simm.s32 $0x0;
	s18 =	sshll.u32 s4, $0x1;
	s4 =	sadd.s32 s19, s2  }
0x9b: {  	[timem:s6], [sflag:s20] =	dma.local [hbm:s4], s18  }
0x9c: {  	_ =	swait.ge [sflag:s20], s18  }
0x9d: {  	s3 =	ssub.s32 $0x0, s18;
	[sflag:s20] =	ssyncset.done $0x0  }
0x9e: {  	[sflag:s20] =	ssyncadd.s32 s3;
	_ =	sdelay $0x1  }
0x9f: {  	s21 =	simm.s32 $0x1B8B  }
0xa0: {  	_ =	swait.ge [sflag:s21], $0x1  }
0xa1: {  	[sflag:s21] =	ssyncset.done $0x0  }
0xa2: {  	s23 =	simm.s32 $0x1B8E;
	s22 =	sld [smem:$0x3FFE];
	[sflag:s21] =	ssyncadd.s32 $0xFFFFFFFF  }
0xa3: {  	s24 =	simm.s32 $execute0_lowered;
	[smem:$0x3FD2] =	sst s23  }
0xa4: {  	s4 =	sshll.u32 s24, $0x1;
	_ =	strace $0x80000046;
	[dreg:$0x1] =	wrdreg $0xFFFFFFFF  }
0xa5: {  	s25 =	simm.s32 $_size_execute0_lowered;
	s2 =	sadd.s32 s2, s4;
	[dreg:$0x0] =	wrdreg $0x0  }
0xa6: {  	s4 =	sshll.u32 s25, $0x1;
	[dreg:$0x2] =	wrdreg s2  }
0xa7: {  	[dreg:$0x3] =	wrdreg s4  }
0xa8: {  	[dreg:$0x4] =	wrdreg $0xC0  }
0xa9: {  	_ =	task [dreg:s6], $0x5FFFF  }
0xaa: {  	[dreg:$0x1] =	wrdreg $0xFFFFFFFF  }
0xab: {  	[dreg:$0x0] =	wrdreg $0x60  }
0xac: {  	[dreg:$0x2] =	wrdreg s0  }
0xad: {  	[dreg:$0x3] =	wrdreg s16  }
0xae: {  	[dreg:$0x4] =	wrdreg s22  }
0xaf: {  	[dreg:$0x5] =	wrdreg $0x58000  }
0xb0: {  	[dreg:$0x6] =	wrdreg $0x9  }
0xb1: {  	_ =	task.clear_ibuf [dreg:s6], $0x7FFFF;
	_ =	strace $0x90000046  }
0xb2: {  	s26 =	simm.s32 $0x9;
	_ =	strace $0x80000048  }
0xb3: {  	_ =	swait.ge [sflag:s26], $0x1  }
0xb4: {  	[sflag:s26] =	ssyncadd.s32 $0xFFFFFFFF  }
0xb5: {  	_ =	strace $0x90000048  }
0xb6: {  	_ =	sfence  }
0xb7: {  	s28 =	sld [smem:$0x0];
	_ =	sdelay $0x1  }
0xb8: {  	s29 =	srdreg.scid  }
0xb9: {  	s30 =	sshll.u32 s29, $0xD;
	s31 =	sshrl.u32 s29, $0x2  }
0xba: {  	s1 =	sand.u32 $0x1, s29;
	s2 =	sand.u32 $0x4000, s30;
	s0 =	sadd.s32 s31, s28  }
0xbb: {  	s1 =	sor.u32 s2, s1;
	s0 =	sshll.u32 s0, $0x11  }
0xbc: {  	s0 =	sor.u32 s0, s1  }
0xbd: {  	s0 =	sadd.s32 $0x8F2B, s0  }
0xbe: {  	[sflag:s0] =	ssyncadd.remote.s32 $0x1  }
0xbf: {  	_ =	sfence.sel $0xFFFF  }
0xc0: {  	[dreg:$0x0] =	wrdreg $0xFFFFFFFF;
	(pc) =	sbr.abs _section_cstart, $3  }
0xc1: {  	[dreg:$0x1] =	wrdreg $0xFFFFFFFF  }
0xc2: {  	_ =	task.clear_ibuf [dreg:s6], $0x2FFFF;
	_ =	strace $0x9FFFFFFF  }
0xc3: {  	(tm) =	ssettm $0x7FFFFFFF  }
tec
execute0_lowered:
.L_overlay_start_1:
0x0: {  	(tag) =	ssettag $0x1  }
0x1: {  	s6 =	rddreg [dreg:$0x0]  }
0x2: {  	s8 =	rddreg [dreg:$0x1]  }
0x3: {  	s1 =	rddreg [dreg:$0x2]  }
0x4: {  	s2 =	rddreg [dreg:$0x3];
	s4 =	simm.s32 $0x0  }
0x5: {  	[smem:$0x7FF] =	sst s4  }
0x6: {  	s0 =	rddreg [dreg:$0x4];
	s3 =	sadd.s32 $0x1C00, s1;
	_ =	strace $0x80000047  }
0x7: {  	[tilespmem:s4], [sflag:$0x1] =	stream.linear.gather [hbm4b:s3+s4], $0x2000, $0x38;
	[tilespmem:$0x5840] =	vst v63  }
0x8: {  	s3 =	simm.s32 $0x1  }
0x9: {  	_ =	swait.ge [sflag:s3], $0x2000  }
0xa: {  	[sflag:s3] =	ssyncset.done $0x0  }
0xb: {  	s5 =	simm.s32 $0x2000;
	s7 =	sadd.s32 $0x1A00, s1;
	[sflag:s3] =	ssyncadd.s32 $0xFFFFE000  }
0xc: {  	[tilespmem:s5], [sflag:$0x1] =	stream.linear.gather [hbm4b:s7+s4], $0x800, $0x38;
	[tilespmem:$0x5840] =	vst v63  }
0xd: {  	s9 =	stileid.u32;
	_ =	swait.ge [sflag:s3], $0x800  }
0xe: {  	s30 =	sshll.u32 s9, $0xA;
	[sflag:s3] =	ssyncset.done $0x0  }
0xf: {  	s6 =	sadd.s32 s6, s30;
	s7 =	simm.s32 $0x2800;
	[sflag:s3] =	ssyncadd.s32 $0xFFFFF800  }
0x10: {  	[tilespmem:s7], [sflag:$0x1] =	stream.linear.gather [hbm4b:s6+s4], $0x2000, $0x38;
	[tilespmem:$0x5840] =	vst v63  }
0x11: {  	s31 =	sshll.u32 s9, $0x8;
	_ =	swait.ge [sflag:s3], $0x2000  }
0x12: {  	p0 =	sne.s32 s9, $0x0;
	s8 =	sadd.s32 s8, s31;
	[sflag:s3] =	ssyncset.done $0x0  }
.Ltmp0:
0x13: {  	s6 =	simm.s32 $0x4800;
	[sflag:s3] =	ssyncadd.s32 $0xFFFFE000;
	(pc) =	sbr.rel @!p0 .LBB2_1-.Ltmp0, $4  }
0x14: {  	[tilespmem:s6], [sflag:$0x1] =	stream.linear.gather [hbm4b:s8+s4], $0x800, $0x38;
	[tilespmem:$0x5840] =	vst v63  }
0x15: {  	_ =	swait.ge [sflag:s3], $0x800  }
0x16: {  	[sflag:s3] =	ssyncset.done $0x0  }
0x17: {  	[sflag:s3] =	ssyncadd.s32 $0xFFFFF800  }
0x18: {  	[bflag:$0x0] =	sbarrier.arrive $0xFFFF  }
0x19: {  	[spmem:s2] =	stream.indirect.scatter.add.f32 [tilespmem:s4], [sflag:$0x1], $0x1, s7, s5, $0xb8;
	[tilespmem:$0x5840] =	vst v63  }
0x1a: {  	_ =	swait.ge [sflag:s3], $0x2000  }
0x1b: {  	[sflag:s3] =	ssyncset.done $0x0  }
0x1c: {  	s1 =	simm.s32 $0x800;
	[sflag:s3] =	ssyncadd.s32 $0xFFFFE000  }
0x1d: {  	[spmem:s2] =	stream.indirect.scatter.add.f32 [tilespmem:s5], [sflag:$0x1], $0x1, s6, s1, $0xb8;
	[tilespmem:$0x5840] =	vst v63  }
.Ltmp1:
0x1e: {  	_ =	swait.ge [sflag:s3], $0x800;
	(pc) =	sbr.rel .LBB2_5-.Ltmp1, $3  }
0x1f: {  	[sflag:s3] =	ssyncset.done $0x0  }
0x20: {  	[sflag:s3] =	ssyncadd.s32 $0xFFFFF800  }
0x21: {  	[bflag:$0x0] =	sbarrier.arrive $0xFFFF;
	_ =	sdelay $0x1  }
.LBB2_1:
0x22: {  	s8 =	sadd.s32 $0x1800, s1;
	s9 =	sshrl.u32 s2, $0x3;
	s10 =	simm.s32 $0x1C01  }
0x23: {  	[spmem:s9], [sflag:s10] =	dma.local [hbm:s8], $0x80  }
0x24: {  	_ =	swait.ge [sflag:s3], $0x80  }
0x25: {  	[sflag:s3] =	ssyncset.done $0x0  }
0x26: {  	[sflag:s3] =	ssyncadd.s32 $0xFFFFFF80  }
0x27: {  	[bflag:$0x0] =	sbarrier.arrive $0xFFFF  }
0x28: {  	[spmem:s2] =	stream.indirect.scatter.add.f32 [tilespmem:s4], [sflag:$0x1], $0x1, s7, s5, $0xb8;
	[tilespmem:$0x5840] =	vst v63  }
0x29: {  	_ =	swait.ge [sflag:s3], $0x2000  }
0x2a: {  	[sflag:s3] =	ssyncset.done $0x0  }
0x2b: {  	s30 =	simm.s32 $0x800;
	[sflag:s3] =	ssyncadd.s32 $0xFFFFE000  }
0x2c: {  	[spmem:s2] =	stream.indirect.scatter.add.f32 [tilespmem:s5], [sflag:$0x1], $0x1, s6, s30, $0xb8;
	[tilespmem:$0x5840] =	vst v63  }
0x2d: {  	_ =	swait.ge [sflag:s3], $0x800  }
0x2e: {  	[sflag:s3] =	ssyncset.done $0x0  }
0x2f: {  	[sflag:s3] =	ssyncadd.s32 $0xFFFFF800  }
0x30: {  	s31 =	simm.s32 $0x5000;
	[bflag:$0x0] =	sbarrier.arrive $0xFFFF  }
0x31: {  	[tilespmem:s31], [sflag:$0x1] =	stream.linear.gather [spmem:s2], $0x400, $0x38;
	[tilespmem:$0x5840] =	vst v63  }
0x32: {  	_ =	swait.ge [sflag:s3], $0x400  }
0x33: {  	[sflag:s3] =	ssyncset.done $0x0  }
0x34: {  	s2 =	simm.s32 $0x0;
	[sflag:s3] =	ssyncadd.s32 $0xFFFFFC00  }
0x35: {  	v0 =	vld [tilespmem:s2+$0x5000];
	_ =	sdelay $0x4  }
0x36: {  	s3 =	simm.s32 $0x10;
	(erf) = vrcp.f32 v0  }
0x37: {  	v0 =	vld [tilespmem:s3+$0x5000];
	_ =	sdelay $0x2  }
0x38: {  	s1 =	sadd.s32 $0x2000, s1;
	s4 =	simm.s32 $0x80  }
.LBB2_2:
0x39: {  	p1 =	sne.s32 s4, $0xFC0  }
.Ltmp2:
0x3a: {  	s5 =	sshra.s32 s4, $0x2;
	s4 =	sadd.s32 $0x40, s4;
	(erf) = vrcp.f32 v0;
	(pc) =	sbr.rel @p1 .LBB2_2-.Ltmp2, $3  }
0x3b: {  	v0 =	vld [tilespmem:s5+$0x5000];
	_ =	sdelay $0x1  }
0x3c: {  	v1 =	vpop (erf)  }
0x3d: {  	[tilespmem:s2+$0x5400] =	vst v1;
	s2 =	smov.u32 s3;
	s3 =	smov.u32 s5  }
0x3e: {  	_ = 	snop  }
0x3f: {  	(erf) = vrcp.f32 v0;
	_ =	sdelay $0x7  }
0x40: {  	v62 =	vpop (erf)  }
0x41: {  	[tilespmem:s2+$0x5400] =	vst v62;
	v63 =	vpop (erf)  }
0x42: {  	s29 =	simm.s32 $0x0;
	s30 =	simm.s32 $0x5400;
	s31 =	simm.s32 $0x1;
	[tilespmem:s3+$0x5400] =	vst v63  }
0x43: {  	[hbm4b:s1+s29] =	stream.linear.scatter [tilespmem:s30], [sflag:$0x1], $0x400, $0x38;
	[tilespmem:$0x5840] =	vst v63  }
0x44: {  	_ =	swait.ge [sflag:s31], $0x400  }
0x45: {  	[sflag:s31] =	ssyncset.done $0x0  }
0x46: {  	[sflag:s31] =	ssyncadd.s32 $0xFFFFFC00  }
.LBB2_5:
0x47: {  	_ =	sfence.sel $0x180000  }
0x48: {  	[bflag:$0x0] =	sbarrier.arrive $0xFFFF  }
0x49: {  	_ =	strace $0x90000047  }
0x4a: {  	s0 =	sadd.s32 @!p0 $0x100000, s0;
	[bflag:$0x2] =	sbarrier.arrive $0xFFFF  }
0x4b: {  	[sflag:s0] =	ssyncadd.tile.s32 @!p0 $0x1;
	_ =	shalt  }
.Lfunc_end2:
_tile_overlayer_lowered:
.L_overlay_start_2:
0x4c: {  	(tag) =	ssettag $0x2  }
0x4d: {  	s0 =	rddreg [dreg:$0x0];
	s2 =	stileid.u32  }
0x4e: {  	s1 =	rddreg [dreg:$0x1];
	p0 =	sne.s32 s2, $0x0  }
0x4f: {  	s3 =	rddreg [dreg:$0x2];
	[bflag:$0x3] =	sbarrier.arrive $0xFFFF;
	s2 =	simm.s32 @!p0 $0x1C01  }
0x50: {  	[timem:s3], [sflag:s2] =	dma.local @!p0 [hbm:s0], s1  }
0x51: {  	s0 =	simm.s32 @!p0 $0x1  }
0x52: {  	_ =	swait.ge @!p0 [sflag:s0], s1  }
0x53: {  	s1 =	ssub.s32 @!p0 $0x0, s1;
	[sflag:s0] =	ssyncset.done @!p0 $0x0  }
0x54: {  	[sflag:s0] =	ssyncadd.s32 @!p0 s1  }
0x55: {  	[bflag:$0x3] =	sbarrier.arrive $0xFFFF  }
0x56: {  	_ =	shalt  }

// kernel: kernel.8.cloned.1.call-start
scs
__scs_entry_jumppad:
0x0: {  	(pc) =	sbr.rel $0x88, $3  }
0x1: {  	(tag) =	ssettag $0x0;
	lr =	simm.s32 $0x1  }
0x2: {  	[smem:$0x3F9B] =	sst lr;
	_ =	strace $0xD0000000  }
0x3: {  	_ = 	snop  }
0x4: {  	_ = 	snop  }
0x5: {  	_ = 	snop  }
0x6: {  	_ = 	snop  }
0x7: {  	_ = 	snop  }
__scs_overlays_trampoline_lowered:
0x8: {  	[smem:$0x3FAA] =	sst s0  }
0x9: {  	[smem:$0x3FAB] =	sst s1  }
0xa: {  	[smem:$0x3FAC] =	sst s2  }
0xb: {  	[smem:$0x3FAD] =	sst s3  }
0xc: {  	[smem:$0x3FAE] =	sst s4  }
0xd: {  	[smem:$0x3FAF] =	sst s5  }
0xe: {  	[smem:$0x3FB0] =	sst s6  }
0xf: {  	[smem:$0x3FB1] =	sst s7  }
0x10: {  	[smem:$0x3FB2] =	sst s8  }
0x11: {  	[smem:$0x3FB3] =	sst s9;
	s0 =	simm.s32 @!p0 $0x0  }
0x12: {  	s1 =	sld [smem:$0x3F99];
	s0 =	simm.s32 @p0 $0x1  }
0x13: {  	[smem:$0x3FB4] =	sst s0;
	s0 =	simm.s32 @!p1 $0x0  }
0x14: {  	s2 =	sld [smem:$0x3F98];
	s0 =	simm.s32 @p1 $0x1  }
0x15: {  	[smem:$0x3FB5] =	sst s0;
	s0 =	simm.s32 @!p2 $0x0  }
0x16: {  	s3 =	sld [smem:$0x3FDB];
	s0 =	simm.s32 @p2 $0x1  }
0x17: {  	s4 =	simm.s32 $0x1BF5;
	[smem:$0x3FB7] =	sst s0  }
0x18: {  	s0 =	sld [smem:$0x3F9A];
	_ =	swait.ge [sflag:s4], $0x0  }
0x19: {  	s7 =	sld [smem:$0x3F9B]  }
0x1a: {  	s8 =	sadd.s32 $0xFFFFE003, lr  }
0x1b: {  	s9 =	sadd.s32 $0xFFFFFEF7, lr;
	s5 =	simm.s32 $0xFFFFFFFF;
	p2 =	slt.u32 s8, $0xFFFFF086  }
0x1c: {  	p1 =	slt.u32 s9, $0xF7A;
	s5 =	simm.s32 @!p2 $0x0  }
0x1d: {  	s5 =	simm.s32 @p1 $0x1;
	p0 =	seq.s32 s7, s2  }
0x1e: {  	s7 =	smul.u32 @!p0 $0xF7A, s2;
	p2 =	seq.s32 @!p0 s5, $0x0  }
0x1f: {  	s9 =	smul.u32 $0xF7A, s1;
	s8 =	simm.s32 @!p0 $0x1BF5;
	p2 =	por !p2, p0  }
0x20: {  	[sflag:s8] =	ssyncset.s32 @!p0 $0xFFFFF086;
	s6 =	sadd.s32 @!p0 s3, s7;
	s7 =	simm.s32 @!p0 $0x108  }
0x21: {  	s3 =	sadd.s32 s3, s9;
	s6 =	sadd.s32 @!p0 $0x88, s6;
	s7 =	simm.s32 @p2 $0x1082  }
0x22: {  	[simem:s7], [sflag:s8] =	dma.local @!p0 [hbm:s6], $0xF7A  }
0x23: {  	s9 =	sor.u32 $0xD0000000, s2;
	s6 =	simm.s32 $0x108;
	_ =	swait.ge @!p0 [sflag:s8], $0x0  }
0x24: {  	s3 =	sadd.s32 $0x88, s3;
	s6 =	simm.s32 @!p1 $0x1082;
	[sflag:s4] =	ssyncset.s32 $0xFFFFF086  }
0x25: {  	[simem:s6], [sflag:s4] =	dma.local [hbm:s3], $0xF7A  }
0x26: {  	[smem:$0x3F9B] =	sst s1;
	(tag) =	ssettag s2;
	_ =	strace s9  }
0x27: {  	s1 =	sld [smem:$0x3FAB]  }
0x28: {  	s2 =	sld [smem:$0x3FAC]  }
0x29: {  	s4 =	sld [smem:$0x3FAE]  }
0x2a: {  	p0 =	seq.s32 s5, $0x0;
	s5 =	sld [smem:$0x3FAF]  }
0x2b: {  	s6 =	sld [smem:$0x3FB0]  }
0x2c: {  	s7 =	sld [smem:$0x3FB1]  }
0x2d: {  	s3 =	simm.s32 $0x108;
	s8 =	sld [smem:$0x3FB2]  }
0x2e: {  	s3 =	simm.s32 @!p0 $0x1082;
	s9 =	sld [smem:$0x3FB3]  }
0x2f: {  	lr =	sadd.s32 s0, s3;
	s0 =	sld [smem:$0x3FAA]  }
0x30: {  	s3 =	sld [smem:$0x3FAD]  }
0x31: {  	[smem:$0x3FB6] =	sst s10  }
0x32: {  	s10 =	sld [smem:$0x3FB4];
	_ =	sdelay $0x3  }
0x33: {  	p0 =	seq.s32 s10, $0x1;
	s10 =	sld [smem:$0x3FB6];
	_ =	sdelay $0x3  }
0x34: {  	[smem:$0x3FB6] =	sst s10  }
0x35: {  	s10 =	sld [smem:$0x3FB5];
	_ =	sdelay $0x3  }
0x36: {  	p1 =	seq.s32 s10, $0x1;
	s10 =	sld [smem:$0x3FB6];
	_ =	sdelay $0x3  }
0x37: {  	[smem:$0x3FB6] =	sst s10  }
0x38: {  	s10 =	sld [smem:$0x3FB7]  }
0x39: {  	_ = 	snop;
	(pc) =	sbr.ind lr, $3  }
0x3a: {  	_ = 	snop  }
0x3b: {  	_ = 	snop  }
0x3c: {  	p2 =	seq.s32 s10, $0x1;
	s10 =	sld [smem:$0x3FB6]  }
0x3d: {  	_ =	shalt  }
0x3e: {  	_ =	shalt  }
0x3f: {  	_ =	shalt  }
0x40: {  	_ =	shalt  }
0x41: {  	_ =	shalt  }
0x42: {  	_ =	shalt  }
0x43: {  	_ =	shalt  }
0x44: {  	_ =	shalt  }
0x45: {  	_ =	shalt  }
0x46: {  	_ =	shalt  }
0x47: {  	_ =	shalt  }
0x48: {  	_ =	shalt  }
0x49: {  	_ =	shalt  }
0x4a: {  	_ =	shalt  }
0x4b: {  	_ =	shalt  }
0x4c: {  	_ =	shalt  }
0x4d: {  	_ =	shalt  }
0x4e: {  	_ =	shalt  }
0x4f: {  	_ =	shalt  }
0x50: {  	_ =	shalt  }
0x51: {  	_ =	shalt  }
0x52: {  	_ =	shalt  }
0x53: {  	_ =	shalt  }
0x54: {  	_ =	shalt  }
0x55: {  	_ =	shalt  }
0x56: {  	_ =	shalt  }
0x57: {  	_ =	shalt  }
0x58: {  	_ =	shalt  }
0x59: {  	_ =	shalt  }
0x5a: {  	_ =	shalt  }
0x5b: {  	_ =	shalt  }
0x5c: {  	_ =	shalt  }
0x5d: {  	_ =	shalt  }
0x5e: {  	_ =	shalt  }
0x5f: {  	_ =	shalt  }
0x60: {  	_ =	shalt  }
0x61: {  	_ =	shalt  }
0x62: {  	_ =	shalt  }
0x63: {  	_ =	shalt  }
0x64: {  	_ =	shalt  }
0x65: {  	_ =	shalt  }
0x66: {  	_ =	shalt  }
0x67: {  	_ =	shalt  }
0x68: {  	_ =	shalt  }
0x69: {  	_ =	shalt  }
0x6a: {  	_ =	shalt  }
0x6b: {  	_ =	shalt  }
0x6c: {  	_ =	shalt  }
0x6d: {  	_ =	shalt  }
0x6e: {  	_ =	shalt  }
0x6f: {  	_ =	shalt  }
0x70: {  	_ =	shalt  }
0x71: {  	_ =	shalt  }
0x72: {  	_ =	shalt  }
0x73: {  	_ =	shalt  }
0x74: {  	_ =	shalt  }
0x75: {  	_ =	shalt  }
0x76: {  	_ =	shalt  }
0x77: {  	_ =	shalt  }
0x78: {  	_ =	shalt  }
0x79: {  	_ =	shalt  }
0x7a: {  	_ =	shalt  }
0x7b: {  	_ =	shalt  }
0x7c: {  	_ =	shalt  }
0x7d: {  	_ =	shalt  }
0x7e: {  	_ =	shalt  }
0x7f: {  	_ =	shalt  }
0x80: {  	_ =	shalt  }
0x81: {  	_ =	shalt  }
0x82: {  	_ =	shalt  }
0x83: {  	_ =	shalt  }
0x84: {  	_ =	shalt  }
0x85: {  	_ =	shalt  }
0x86: {  	_ =	shalt  }
0x87: {  	_ =	shalt  }
.Lfunc_end0:
.L_simem_size_0:
called_computation.1_lowered:
.L_overlay_start_0:
0x88: {  	s0 =	sld [smem:$0x3FD9]  }
0x89: {  	s1 =	sld [smem:$0x3FFE];
	_ =	sdelay $0x3  }
0x8a: {  	s0 =	sadd.s32 s1, s0  }
0x8b: {  	[smem:$0x3FC2] =	sst s0  }
0x8c: {  	_ = 	snop  }
0x8d: {  	s0 =	sld [smem:$0x3FD0];
	_ =	sdelay $0x1  }
0x8e: {  	s13 =	sld [smem:$0x3FC5]  }
0x8f: {  	s3 =	simm.s32 $0xA;
	s4 =	simm.s32 $0x10;
	s2 =	sld [smem:$0x3FC4]  }
0x90: {  	[smem:s4], [sflag:s3] =	dma.local [hbm:s0], $0x1  }
0x91: {  	_ =	swait.eq [sflag:s3], $0x1  }
0x92: {  	[sflag:s3] =	ssyncset.done $0x0  }
0x93: {  	s14 =	sld [smem:$0x10];
	[sflag:s3] =	ssyncadd.s32 $0xFFFFFFFF  }
0x94: {  	s15 =	sld [smem:$0x11];
	(tm) =	ssettm $0x1  }
0x95: {  	s16 =	sld [smem:$0x3FFB];
	_ =	sdelay $0x3  }
0x96: {  	_ =	strace s16  }
0x97: {  	s4 =	sld [smem:$0x3FFC];
	_ =	sdelay $0x3  }
0x98: {  	_ =	strace s4  }
0x99: {  	s4 =	sld [smem:$0x3FFD];
	_ =	sdelay $0x3  }
0x9a: {  	_ =	strace s4  }
0x9b: {  	_ =	strace $0x8FFFFFFF  }
0x9c: {  	s17 =	sld [smem:$0x3FDB];
	_ =	sdelay $0x1  }
0x9d: {  	s5 =	simm.s32 $_scs_section_size  }
0x9e: {  	s6 =	simm.s32 $_size__tile_overlayer_lowered;
	s7 =	simm.s32 $_tile_overlayer_lowered  }
0x9f: {  	s20 =	simm.s32 $0x1BFF;
	s19 =	sshll.u32 s7, $0x1;
	s4 =	sadd.s32 s5, s17  }
0xa0: {  	s8 =	simm.s32 $0x0;
	s18 =	sshll.u32 s6, $0x1;
	s6 =	sadd.s32 s19, s4  }
0xa1: {  	[timem:s8], [sflag:s20] =	dma.local [hbm:s6], s18  }
0xa2: {  	_ =	swait.ge [sflag:s20], s18  }
0xa3: {  	s5 =	ssub.s32 $0x0, s18;
	[sflag:s20] =	ssyncset.done $0x0  }
0xa4: {  	[sflag:s20] =	ssyncadd.s32 s5;
	_ =	sdelay $0x1  }
0xa5: {  	s21 =	simm.s32 $0x1B8B  }
0xa6: {  	_ =	swait.ge [sflag:s21], $0x1  }
0xa7: {  	[sflag:s21] =	ssyncset.done $0x0  }
0xa8: {  	s23 =	simm.s32 $0x1B8E;
	s22 =	sld [smem:$0x3FFE];
	[sflag:s21] =	ssyncadd.s32 $0xFFFFFFFF  }
0xa9: {  	s24 =	simm.s32 $execute0_lowered;
	[smem:$0x3FD2] =	sst s23  }
0xaa: {  	s6 =	sshll.u32 s24, $0x1;
	_ =	strace $0x80000049;
	[dreg:$0x1] =	wrdreg $0xFFFFFFFF  }
0xab: {  	s25 =	simm.s32 $_size_execute0_lowered;
	s4 =	sadd.s32 s4, s6;
	[dreg:$0x0] =	wrdreg $0x0  }
0xac: {  	s6 =	sshll.u32 s25, $0x1;
	[dreg:$0x2] =	wrdreg s4  }
0xad: {  	[dreg:$0x3] =	wrdreg s6  }
0xae: {  	[dreg:$0x4] =	wrdreg $0xC0  }
0xaf: {  	_ =	task [dreg:s8], $0x5FFFF  }
0xb0: {  	[dreg:$0x1] =	wrdreg $0xFFFFFFFF  }
0xb1: {  	[dreg:$0x0] =	wrdreg $0x60  }
0xb2: {  	[dreg:$0x2] =	wrdreg s13  }
0xb3: {  	[dreg:$0x3] =	wrdreg s2  }
0xb4: {  	[dreg:$0x4] =	wrdreg s22  }
0xb5: {  	[dreg:$0x5] =	wrdreg s14  }
0xb6: {  	[dreg:$0x6] =	wrdreg s15  }
0xb7: {  	[dreg:$0x7] =	wrdreg $0x56000  }
0xb8: {  	[dreg:$0x8] =	wrdreg $0x9  }
0xb9: {  	_ =	task.clear_ibuf [dreg:s8], $0x9FFFF;
	_ =	strace $0x90000049  }
0xba: {  	s26 =	simm.s32 $0x9;
	_ =	strace $0x8000004B  }
0xbb: {  	_ =	swait.ge [sflag:s26], $0x1  }
0xbc: {  	[sflag:s26] =	ssyncadd.s32 $0xFFFFFFFF  }
0xbd: {  	_ =	strace $0x9000004B  }
0xbe: {  	_ =	sfence  }
0xbf: {  	s28 =	sld [smem:$0x0];
	_ =	sdelay $0x1  }
0xc0: {  	s29 =	srdreg.scid  }
0xc1: {  	s30 =	sshll.u32 s29, $0xD;
	s31 =	sshrl.u32 s29, $0x2  }
0xc2: {  	s1 =	sand.u32 $0x1, s29;
	s2 =	sand.u32 $0x4000, s30;
	s0 =	sadd.s32 s31, s28  }
0xc3: {  	s1 =	sor.u32 s2, s1;
	s0 =	sshll.u32 s0, $0x11  }
0xc4: {  	s0 =	sor.u32 s0, s1  }
0xc5: {  	s0 =	sadd.s32 $0x8F2B, s0  }
0xc6: {  	[sflag:s0] =	ssyncadd.remote.s32 $0x1  }
0xc7: {  	_ =	sfence.sel $0xFFFF  }
0xc8: {  	[dreg:$0x0] =	wrdreg $0xFFFFFFFF;
	(pc) =	sbr.abs _section_cstart, $3  }
0xc9: {  	[dreg:$0x1] =	wrdreg $0xFFFFFFFF  }
0xca: {  	_ =	task.clear_ibuf [dreg:s8], $0x2FFFF;
	_ =	strace $0x9FFFFFFF  }
0xcb: {  	(tm) =	ssettm $0x7FFFFFFF  }
tec
execute0_lowered:
.L_overlay_start_1:
0x0: {  	(tag) =	ssettag $0x1  }
0x1: {  	s5 =	rddreg [dreg:$0x0]  }
0x2: {  	s6 =	rddreg [dreg:$0x1]  }
0x3: {  	s7 =	rddreg [dreg:$0x2]  }
0x4: {  	s2 =	rddreg [dreg:$0x3]  }
0x5: {  	s1 =	rddreg [dreg:$0x4]  }
0x6: {  	s3 =	rddreg [dreg:$0x5]  }
0x7: {  	s0 =	rddreg [dreg:$0x6];
	s8 =	simm.s32 $0x0  }
0x8: {  	s9 =	simm.s32 $0x5580;
	[smem:$0x7FF] =	sst s8  }
0x9: {  	s23 =	simm.s32 $0x1;
	s4 =	sadd.s32 $0x1800, s7;
	_ =	strace $0x8000004A  }
0xa: {  	[tilespmem:s9], [sflag:$0x1] =	stream.linear.gather [hbm4b:s4+s8], $0x80, $0x38;
	[tilespmem:$0x5608] =	vst v63  }
0xb: {  	_ =	swait.ge [sflag:s23], $0x80  }
0xc: {  	[sflag:s23] =	ssyncset.done $0x0  }
0xd: {  	s10 =	sadd.s32 $0x2000, s7;
	s4 =	simm.s32 $0x5000;
	[sflag:s23] =	ssyncadd.s32 $0xFFFFFF80  }
0xe: {  	[tilespmem:s4], [sflag:$0x1] =	stream.linear.gather [hbm4b:s10+s8], $0x400, $0x38;
	[tilespmem:$0x5608] =	vst v63  }
0xf: {  	s24 =	stileid.u32;
	_ =	swait.ge [sflag:s23], $0x400  }
0x10: {  	s11 =	sshll.u32 s24, $0xA;
	[sflag:s23] =	ssyncset.done $0x0  }
0x11: {  	s5 =	sadd.s32 s5, s11;
	[sflag:s23] =	ssyncadd.s32 $0xFFFFFC00  }
0x12: {  	[tilespmem:s8], [sflag:$0x1] =	stream.linear.gather [hbm4b:s5+s8], $0x2000, $0x38;
	[tilespmem:$0x5608] =	vst v63  }
0x13: {  	_ =	swait.ge [sflag:s23], $0x2000  }
0x14: {  	s25 =	sshll.u32 s24, $0x8;
	[sflag:s23] =	ssyncset.done $0x0  }
0x15: {  	s12 =	simm.s32 $0x2000;
	s6 =	sadd.s32 s6, s25;
	[sflag:s23] =	ssyncadd.s32 $0xFFFFE000  }
0x16: {  	[tilespmem:s12], [sflag:$0x1] =	stream.linear.gather [hbm4b:s6+s8], $0x800, $0x38;
	[tilespmem:$0x5608] =	vst v63  }
0x17: {  	_ =	swait.ge [sflag:s23], $0x800  }
0x18: {  	s26 =	sadd.s32 s11, s7;
	[sflag:s23] =	ssyncset.done $0x0  }
0x19: {  	s28 =	simm.s32 $0x2800;
	s6 =	sadd.s32 $0x2200, s26;
	[sflag:s23] =	ssyncadd.s32 $0xFFFFF800  }
0x1a: {  	[tilespmem:s28], [sflag:$0x1] =	stream.linear.gather [hbm4b:s6+s8], $0x2000, $0x38;
	[tilespmem:$0x5608] =	vst v63  }
0x1b: {  	_ =	swait.ge [sflag:s23], $0x2000  }
0x1c: {  	s5 =	sadd.s32 s25, s7;
	[sflag:s23] =	ssyncset.done $0x0  }
0x1d: {  	s29 =	simm.s32 $0x4800;
	s5 =	sadd.s32 $0x6200, s5;
	[sflag:s23] =	ssyncadd.s32 $0xFFFFE000  }
0x1e: {  	[tilespmem:s29], [sflag:$0x1] =	stream.linear.gather [hbm4b:s5+s8], $0x800, $0x38;
	[tilespmem:$0x5608] =	vst v63  }
0x1f: {  	p0 =	sne.s32 s24, $0x0;
	_ =	swait.ge [sflag:s23], $0x800  }
0x20: {  	s6 =	sshrl.u32 @!p0 s3, $0x3;
	[sflag:s23] =	ssyncset.done $0x0  }
0x21: {  	s5 =	sadd.s32 $0x1A00, s7;
	s7 =	simm.s32 @!p0 $0x1C01;
	[sflag:s23] =	ssyncadd.s32 $0xFFFFF800  }
0x22: {  	[spmem:s6], [sflag:s7] =	dma.local @!p0 [hbm:s5], $0x10  }
0x23: {  	s5 =	simm.s32 @!p0 $0x1  }
0x24: {  	_ =	swait.ge @!p0 [sflag:s5], $0x10  }
0x25: {  	[sflag:s5] =	ssyncset.done @!p0 $0x0  }
0x26: {  	[sflag:s5] =	ssyncadd.s32 @!p0 $0xFFFFFFF0  }
0x27: {  	s30 =	simm.s32 $0x0;
	[bflag:$0x0] =	sbarrier.arrive $0xFFFF  }
0x28: {  	v0 =	vld [tilespmem:s30+$0x30]  }
0x29: {  	v1 =	vld [tilespmem:s30+$0x0]  }
0x2a: {  	v2 =	vld [tilespmem:s30+$0x10]  }
0x2b: {  	v3 =	vld [tilespmem:s30+$0x20]  }
0x2c: {  	v4 =	vld [tilespmem:s30+$0x2800]  }
0x2d: {  	v5 =	vld [tilespmem:s30+$0x2810]  }
0x2e: {  	v10 =	vld [tilespmem:s30+$0x2820]  }
0x2f: {  	s31 =	simm.s32 $0x40;
	v8 =	vld [tilespmem:s30+$0x2830]  }
0x30: {  	v12 =	vld [tilespmem:s31+$0x30]  }
0x31: {  	v13 =	vld [tilespmem:s31+$0x0]  }
0x32: {  	v14 =	vld [tilespmem:s31+$0x10]  }
0x33: {  	v11 =	vld [tilespmem:s31+$0x20]  }
0x34: {  	v7 =	vld.idx.msk [tilespmem:v0+s4+$0x0], $0xffff  }
0x35: {  	v1 =	vld.idx.msk [tilespmem:v1+s4+$0x0], $0xffff  }
0x36: {  	v9 =	vld.idx.msk [tilespmem:v2+s4+$0x0], $0xffff  }
0x37: {  	v6 =	vld [tilespmem:s31+$0x2820]  }
0x38: {  	v15 =	vld.idx.msk [tilespmem:v3+s4+$0x0], $0xffff  }
0x39: {  	v2 =	vld [tilespmem:s31+$0x2800]  }
0x3a: {  	v0 =	vld [tilespmem:s31+$0x2810];
	v3 =	vmul.f32 v8, v7  }
0x3b: {  	v7 =	vld.idx.msk [tilespmem:v12+s4+$0x0], $0xffff;
	v1 =	vmul.f32 v4, v1;
	v4 =	vimm.f32 $0.0e+00;
	v12 =	vmul.f32 v5, v9  }
0x3c: {  	v9 =	vld [tilespmem:s31+$0x2830];
	v5 =	vadd.f32 v3, v4  }
0x3d: {  	v8 =	vld.idx.msk [tilespmem:v13+s4+$0x0], $0xffff;
	v3 =	vadd.f32 v1, v4;
	v1 =	vadd.f32 v12, v4;
	v12 =	vmul.f32 v10, v15  }
0x3e: {  	s6 =	simm.s32 $0x300;
	s5 =	simm.s32 $0x80;
	v10 =	vld.idx.msk [tilespmem:v14+s4+$0x0], $0xffff  }
.LBB2_1:
0x3f: {  	p1 =	sne.s32 s6, $0x7F00;
	v13 =	vld [tilespmem:s5+$0x30];
	v4 =	vadd.f32 v12, v4;
	v12 =	vmov v6  }
0x40: {  	v14 =	vld [tilespmem:s5+$0x0]  }
0x41: {  	v15 =	vld [tilespmem:s5+$0x10];
	v6 =	vmul.f32 v9, v7  }
0x42: {  	v9 =	vld [tilespmem:s5+$0x20]  }
0x43: {  	v7 =	vmul.f32 v2, v8;
	v16 =	vld.idx.msk [tilespmem:v11+s4+$0x0], $0xffff;
	v5 =	vadd.f32 v6, v5  }
0x44: {  	v8 =	vmul.f32 v0, v10;
	v2 =	vld [tilespmem:s5+$0x2800]  }
0x45: {  	v3 =	vadd.f32 v7, v3;
	v0 =	vld [tilespmem:s5+$0x2810]  }
.Ltmp0:
0x46: {  	v1 =	vadd.f32 v8, v1;
	v6 =	vld [tilespmem:s5+$0x2820];
	(pc) =	sbr.rel @p1 .LBB2_1-.Ltmp0, $4  }
0x47: {  	v7 =	vld.idx.msk [tilespmem:v13+s4+$0x0], $0xffff;
	v11 =	vmov v9  }
0x48: {  	v9 =	vld [tilespmem:s5+$0x2830]  }
0x49: {  	v12 =	vmul.f32 v12, v16;
	v8 =	vld.idx.msk [tilespmem:v14+s4+$0x0], $0xffff  }
0x4a: {  	s5 =	sshra.s32 s6, $0x2;
	s6 =	sadd.s32 $0x100, s6;
	v10 =	vld.idx.msk [tilespmem:v15+s4+$0x0], $0xffff  }
0x4b: {  	v13 =	vld [tilespmem:s5+$0x30]  }
0x4c: {  	v14 =	vld [tilespmem:s5+$0x0]  }
0x4d: {  	v15 =	vld [tilespmem:s5+$0x10]  }
0x4e: {  	v16 =	vld [tilespmem:s5+$0x20]  }
0x4f: {  	v11 =	vld.idx.msk [tilespmem:v11+s4+$0x0], $0xffff  }
0x50: {  	v17 =	vld [tilespmem:s5+$0x2800]  }
0x51: {  	v18 =	vld [tilespmem:s5+$0x2810]  }
0x52: {  	v19 =	vld [tilespmem:s5+$0x2820]  }
0x53: {  	v20 =	vld [tilespmem:s5+$0x2830];
	s30 =	simm.s32 $0x0  }
0x54: {  	v21 =	vld [tilespmem:s30+$0x2030]  }
0x55: {  	v22 =	vld [tilespmem:s30+$0x2000]  }
0x56: {  	v23 =	vld [tilespmem:s30+$0x2010]  }
0x57: {  	v24 =	vld [tilespmem:s30+$0x2020]  }
0x58: {  	v25 =	vld [tilespmem:s30+$0x4800]  }
0x59: {  	v26 =	vld [tilespmem:s30+$0x4810]  }
0x5a: {  	v27 =	vld [tilespmem:s30+$0x4820]  }
0x5b: {  	s31 =	simm.s32 $0x40;
	v28 =	vld [tilespmem:s30+$0x4830]  }
0x5c: {  	v29 =	vld [tilespmem:s31+$0x2030]  }
0x5d: {  	v30 =	vld [tilespmem:s31+$0x2000]  }
0x5e: {  	v31 =	vld [tilespmem:s31+$0x2010]  }
0x5f: {  	v4 =	vadd.f32 v12, v4;
	v12 =	vld [tilespmem:s31+$0x4820]  }
0x60: {  	v2 =	vmul.f32 v2, v8;
	v8 =	vld [tilespmem:s31+$0x2020]  }
0x61: {  	v13 =	vld.idx.msk [tilespmem:v13+s4+$0x0], $0xffff  }
0x62: {  	v14 =	vld.idx.msk [tilespmem:v14+s4+$0x0], $0xffff  }
0x63: {  	v15 =	vld.idx.msk [tilespmem:v15+s4+$0x0], $0xffff  }
0x64: {  	v16 =	vld.idx.msk [tilespmem:v16+s4+$0x0], $0xffff;
	s4 =	simm.s32 $0x5000  }
0x65: {  	v23 =	vld.idx.msk [tilespmem:v23+s4+$0x0], $0xffff  }
0x66: {  	v7 =	vmul.f32 v9, v7;
	v21 =	vld.idx.msk [tilespmem:v21+s4+$0x0], $0xffff  }
0x67: {  	v0 =	vmul.f32 v0, v10;
	v6 =	vmul.f32 v6, v11;
	v22 =	vld.idx.msk [tilespmem:v22+s4+$0x0], $0xffff  }
0x68: {  	v7 =	vadd.f32 v7, v5;
	v2 =	vadd.f32 v2, v3;
	v24 =	vld.idx.msk [tilespmem:v24+s4+$0x0], $0xffff;
	v3 =	vmul.f32 v20, v13  }
0x69: {  	v5 =	vld [tilespmem:s31+$0x4800];
	v10 =	vadd.f32 v0, v1;
	v4 =	vadd.f32 v6, v4;
	v9 =	vmul.f32 v17, v14  }
0x6a: {  	v6 =	vld [tilespmem:s31+$0x4810];
	v11 =	vmul.f32 v18, v15;
	v15 =	vmul.f32 v26, v23;
	v0 =	vadd.f32 v3, v7  }
0x6b: {  	v13 =	vld [tilespmem:s31+$0x4830];
	v1 =	vadd.f32 v9, v2;
	v3 =	vmul.f32 v19, v16;
	v9 =	vmul.f32 v28, v21  }
0x6c: {  	v2 =	vadd.f32 v11, v10;
	v11 =	vld.idx.msk [tilespmem:v29+s4+$0x0], $0xffff;
	v10 =	vmul.f32 v25, v22;
	v7 =	vimm.f32 $0.0e+00  }
0x6d: {  	v14 =	vld.idx.msk [tilespmem:v30+s4+$0x0], $0xffff;
	v16 =	vmul.f32 v27, v24;
	v3 =	vadd.f32 v3, v4;
	v4 =	vadd.f32 v9, v7  }
0x6e: {  	s5 =	simm.s32 $0x80;
	s6 =	simm.s32 $0x300;
	v10 =	vadd.f32 v10, v7;
	v9 =	vadd.f32 v15, v7;
	v15 =	vld.idx.msk [tilespmem:v31+s4+$0x0], $0xffff  }
.LBB2_3:
0x6f: {  	p1 =	sne.s32 s6, $0x1F00;
	v17 =	vld [tilespmem:s5+$0x2030];
	v7 =	vadd.f32 v16, v7;
	v16 =	vmov v12  }
0x70: {  	v18 =	vld [tilespmem:s5+$0x2000]  }
0x71: {  	v19 =	vld [tilespmem:s5+$0x2010];
	v11 =	vmul.f32 v13, v11  }
0x72: {  	v13 =	vld [tilespmem:s5+$0x2020]  }
0x73: {  	v12 =	vmul.f32 v5, v14;
	v20 =	vld.idx.msk [tilespmem:v8+s4+$0x0], $0xffff;
	v4 =	vadd.f32 v11, v4  }
0x74: {  	v14 =	vmul.f32 v6, v15;
	v5 =	vld [tilespmem:s5+$0x4800]  }
0x75: {  	v10 =	vadd.f32 v12, v10;
	v6 =	vld [tilespmem:s5+$0x4810]  }
.Ltmp1:
0x76: {  	v9 =	vadd.f32 v14, v9;
	v12 =	vld [tilespmem:s5+$0x4820];
	(pc) =	sbr.rel @p1 .LBB2_3-.Ltmp1, $4  }
0x77: {  	v11 =	vld.idx.msk [tilespmem:v17+s4+$0x0], $0xffff;
	v8 =	vmov v13  }
0x78: {  	v13 =	vld [tilespmem:s5+$0x4830]  }
0x79: {  	v16 =	vmul.f32 v16, v20;
	v14 =	vld.idx.msk [tilespmem:v18+s4+$0x0], $0xffff  }
0x7a: {  	s5 =	sshra.s32 s6, $0x2;
	s6 =	sadd.s32 $0x100, s6;
	v15 =	vld.idx.msk [tilespmem:v19+s4+$0x0], $0xffff  }
0x7b: {  	v17 =	vld [tilespmem:s5+$0x2000]  }
0x7c: {  	v18 =	vld [tilespmem:s5+$0x2010];
	_ =	sdelay $0x1  }
0x7d: {  	v19 =	vld [tilespmem:s5+$0x2020]  }
0x7e: {  	v20 =	vld [tilespmem:s5+$0x2030]  }
0x7f: {  	v8 =	vld.idx.msk [tilespmem:v8+s4+$0x0], $0xffff  }
0x80: {  	v21 =	vld [tilespmem:s5+$0x4800]  }
0x81: {  	v22 =	vld [tilespmem:s5+$0x4810]  }
0x82: {  	v17 =	vld.idx.msk [tilespmem:v17+s4+$0x0], $0xffff  }
0x83: {  	v18 =	vld.idx.msk [tilespmem:v18+s4+$0x0], $0xffff  }
0x84: {  	v23 =	vld [tilespmem:s5+$0x4820]  }
0x85: {  	v5 =	vmul.f32 v5, v14;
	v55 =	vld.idx.msk [tilespmem:v19+s4+$0x0], $0xffff  }
0x86: {  	v57 =	vld [tilespmem:s5+$0x4830];
	v6 =	vmul.f32 v6, v15  }
0x87: {  	v7 =	vadd.f32 v16, v7;
	v5 =	vadd.f32 v5, v10;
	v8 =	vmul.f32 v12, v8;
	v56 =	vld.idx.msk [tilespmem:v20+s4+$0x0], $0xffff  }
0x88: {  	v6 =	vadd.f32 v6, v9;
	v58 =	vmul.f32 v21, v17;
	v59 =	vmul.f32 v22, v18  }
0x89: {  	v11 =	vmul.f32 v13, v11;
	v7 =	vadd.f32 v8, v7  }
0x8a: {  	v60 =	vmul.f32 v23, v55;
	v5 =	vadd.f32 v58, v5;
	v6 =	vadd.f32 v59, v6  }
0x8b: {  	v1 =	vadd.f32 v2, v1;
	v4 =	vadd.f32 v11, v4  }
0x8c: {  	v61 =	vmul.f32 v57, v56;
	v7 =	vadd.f32 v60, v7;
	v5 =	vadd.f32 v6, v5  }
0x8d: {  	v1 =	vadd.f32 v3, v1  }
0x8e: {  	v2 =	vadd.f32 v61, v4;
	v62 =	vadd.f32 v7, v5  }
0x8f: {  	v0 =	vadd.f32 v0, v1  }
0x90: {  	v63 =	vadd.f32 v2, v62  }
0x91: {  	s29 =	simm.s32 $0x20;
	[tilespmem:$0x5400] =	vst v0  }
0x92: {  	s30 =	simm.s32 $0x5580;
	s6 =	simm.s32 $0x5400;
	s31 =	simm.s32 $0x1;
	[tilespmem:$0x5410] =	vst v63  }
0x93: {  	[spmem:s3] =	stream.indirect.scatter.add.f32 [tilespmem:s6], [sflag:$0x1], $0x1, s30, s29, $0xb8;
	[tilespmem:$0x5608] =	vst v63  }
0x94: {  	_ =	swait.ge [sflag:s31], $0x20  }
0x95: {  	[sflag:s31] =	ssyncset.done $0x0  }
0x96: {  	[sflag:s31] =	ssyncadd.s32 $0xFFFFFFE0  }
0x97: {  	[bflag:$0x0] =	sbarrier.arrive $0xFFFF  }
0x98: {  	_ =	sfence.sel @p0 $0x180000  }
0x99: {  	[bflag:$0x0] =	sbarrier.arrive @p0 $0xFFFF  }
0x9a: {  	_ =	strace @p0 $0x9000004A  }
0x9b: {  	s4 =	simm.s32 @!p0 $0x5480;
	[bflag:$0x2] =	sbarrier.arrive @p0 $0xFFFF  }
0x9c: {  	[tilespmem:s4], [sflag:$0x1] =	stream.linear.gather @!p0 [spmem:s3], $0x80, $0x38;
	[tilespmem:$0x5608] =	vst v63  }
0x9d: {  	s3 =	simm.s32 @!p0 $0x1  }
0x9e: {  	_ =	swait.ge @!p0 [sflag:s3], $0x80  }
0x9f: {  	[sflag:s3] =	ssyncset.done @!p0 $0x0  }
0xa0: {  	[sflag:s3] =	ssyncadd.s32 @!p0 $0xFFFFFF80  }
0xa1: {  	v0 =	vld @!p0 [tilespmem:$0x5480];
	_ =	sdelay $0x3  }
0xa2: {  	v1 =	vld @!p0 [tilespmem:$0x5490]  }
0xa3: {  	(xrf2) =	vadd.scan.msk.f32 @!p0 $0xffff, v0;
	_ =	sdelay $0x3  }
0xa4: {  	(xrf2) =	vadd.scan.msk.f32 @!p0 $0xffff, v1;
	_ =	sdelay $0x5  }
0xa5: {  	v0, _, _ =	vpop @!p0 (xrf2)  }
0xa6: {  	(v2sf) =	vpush @!p0 v0, $0xF;
	_ =	sdelay $0x2  }
0xa7: {  	v0, _, _ =	vpop @!p0 (xrf2)  }
0xa8: {  	(v2sf) =	vpush @!p0 v0, $0xF;
	_ =	sdelay $0xa  }
0xa9: {  	s4 =	spop @!p0 (v2sf)  }
0xaa: {  	s4 =	smul.f32 @!p0 $9.765625000e-04, s4;
	_ =	sdelay $0x1  }
0xab: {  	v0 =	vmov @!p0 s4  }
0xac: {  	s5 =	simm.s32 @!p0 $0x0;
	s6 =	simm.s32 @!p0 $0x5500;
	s4 =	spop @!p0 (v2sf);
	[tilespmem:$0x5500] =	vst @!p0 v0  }
0xad: {  	[hbm4b:s2+s5] =	stream.linear.scatter @!p0 [tilespmem:s6], [sflag:$0x1], $0x80, $0x38;
	[tilespmem:$0x5608] =	vst v63  }
0xae: {  	s2 =	smul.f32 @!p0 $9.765625000e-04, s4;
	_ =	swait.ge @!p0 [sflag:s3], $0x80  }
0xaf: {  	[sflag:s3] =	ssyncset.done @!p0 $0x0  }
0xb0: {  	v0 =	vmov @!p0 s2;
	[sflag:s3] =	ssyncadd.s32 @!p0 $0xFFFFFF80  }
0xb1: {  	[tilespmem:$0x5500] =	vst @!p0 v0  }
0xb2: {  	[hbm4b:s1+s5] =	stream.linear.scatter @!p0 [tilespmem:s6], [sflag:$0x1], $0x80, $0x38;
	[tilespmem:$0x5608] =	vst v63  }
0xb3: {  	_ =	swait.ge @!p0 [sflag:s3], $0x80  }
0xb4: {  	[sflag:s3] =	ssyncset.done @!p0 $0x0  }
0xb5: {  	[sflag:s3] =	ssyncadd.s32 @!p0 $0xFFFFFF80  }
0xb6: {  	_ =	sfence.sel @!p0 $0x180000  }
0xb7: {  	[bflag:$0x0] =	sbarrier.arrive @!p0 $0xFFFF  }
0xb8: {  	_ =	strace @!p0 $0x9000004A  }
0xb9: {  	s0 =	sadd.s32 @!p0 $0x100000, s0;
	[bflag:$0x2] =	sbarrier.arrive @!p0 $0xFFFF  }
0xba: {  	[sflag:s0] =	ssyncadd.tile.s32 @!p0 $0x1;
	_ =	shalt  }
.Lfunc_end2:
_tile_overlayer_lowered:
.L_overlay_start_2:
0xbb: {  	(tag) =	ssettag $0x2  }
0xbc: {  	s0 =	rddreg [dreg:$0x0];
	s2 =	stileid.u32  }
0xbd: {  	s1 =	rddreg [dreg:$0x1];
	p0 =	sne.s32 s2, $0x0  }
0xbe: {  	s3 =	rddreg [dreg:$0x2];
	[bflag:$0x3] =	sbarrier.arrive $0xFFFF;
	s2 =	simm.s32 @!p0 $0x1C01  }
0xbf: {  	[timem:s3], [sflag:s2] =	dma.local @!p0 [hbm:s0], s1  }
0xc0: {  	s0 =	simm.s32 @!p0 $0x1  }
0xc1: {  	_ =	swait.ge @!p0 [sflag:s0], s1  }
0xc2: {  	s1 =	ssub.s32 @!p0 $0x0, s1;
	[sflag:s0] =	ssyncset.done @!p0 $0x0  }
0xc3: {  	[sflag:s0] =	ssyncadd.s32 @!p0 s1  }
0xc4: {  	[bflag:$0x3] =	sbarrier.arrive $0xFFFF  }
0xc5: {  	_ =	shalt  }

</sc_bundles>
